<compile_context>
chip_gen: v7x
topology: tpu7x:2x2x1
jax: 0.10.2.dev20260603
libtpu: 0.0.44.dev20260713+nightly
codegen_flags: <defaults>
</compile_context>

<pallas_src>
import functools
import math

import jax
import jax.numpy as jnp
from jax import lax
from jax.experimental import pallas as pl
from jax.experimental.pallas import tpu as pltpu
from jax.experimental.pallas import tpu_sc as plsc

NUM_CORES = 2
NUM_SUBCORES = 16
NUM_WORKERS = NUM_CORES * NUM_SUBCORES
LANES = 16

EMB = 64
SCALE = math.sqrt(EMB)
CHUNK = 512


def _emb_kernel(table_hbm, idx_hbm, out_hbm, idx_v, rows_v, sem):
    wid = lax.axis_index("s") * NUM_CORES + lax.axis_index("c")
    b_per_w = idx_hbm.shape[0] // NUM_WORKERS
    n_chunks = b_per_w // CHUNK
    base = wid * b_per_w

    def body(g, _):
        off = base + g * CHUNK
        pltpu.sync_copy(idx_hbm.at[pl.ds(off, CHUNK)], idx_v)
        pltpu.async_copy(table_hbm.at[idx_v], rows_v, sem).wait()

        def scale_row(r, _):
            for j in range(EMB // LANES):
                sl = pl.ds(j * LANES, LANES)
                rows_v[r, sl] = rows_v[r, sl] * SCALE
            return ()

        lax.fori_loop(0, CHUNK, scale_row, (), unroll=8)
        pltpu.sync_copy(rows_v, out_hbm.at[pl.ds(off, CHUNK)])
        return ()

    lax.fori_loop(0, n_chunks, body, (), unroll=False)


@jax.jit
def kernel(tokens, embedding):
    B = tokens.shape[0] * tokens.shape[1]
    idx = tokens.reshape((B,)).astype(jnp.int32)

    mesh = plsc.VectorSubcoreMesh(core_axis_name="c", subcore_axis_name="s")
    out = pl.kernel(
        _emb_kernel,
        out_type=jax.ShapeDtypeStruct((B, EMB), jnp.float32),
        mesh=mesh,
        compiler_params=pltpu.CompilerParams(use_tc_tiling_on_sc=False),
        scratch_types=[
            pltpu.VMEM((CHUNK,), jnp.int32),
            pltpu.VMEM((CHUNK, EMB), jnp.float32),
            pltpu.SemaphoreType.DMA,
        ],
    )(embedding, idx)
    return out.reshape(tokens.shape + (EMB,))

# --- scband reference (transcript-rebuilt; emitter-appended) ---
"""Pipeline reference for scband-token-embedding-43868795961624 (READ-ONLY COPY).

The authoritative reference and input builder live on the scoring server;
editing this copy changes nothing except your own understanding.
"""

import jax, jax.numpy as jnp
import numpy as np
import math

VOCAB_SIZE = 1000000
EMB_SIZE = 64

def setup_inputs(seed: int = 0) -> dict:
    key = jax.random.key(seed)
    k_tok, k_emb = jax.random.split(key)
    tokens = jax.random.randint(k_tok, (4096, 200), 0, VOCAB_SIZE, dtype=jnp.int64 if jax.config.jax_enable_x64 else jnp.int32)
    embedding = jax.random.normal(k_emb, (VOCAB_SIZE, EMB_SIZE), dtype=jnp.float32)
    return {"tokens": tokens, "embedding": embedding}

def reference(tokens, embedding):
    # TokenEmbedding.forward: embedding(tokens.long()) * sqrt(emb_size)
    emb = jnp.take(embedding, tokens, axis=0)
    return emb * math.sqrt(EMB_SIZE)

if __name__ == "__main__":
    import jax
    _d = setup_inputs()
    print(jax.jit(kernel)(*tuple(_d.values())))

</pallas_src>

<mosaic_0001>
#map = affine_map<(d0, d1) -> (0, 0)>
#map1 = affine_map<(d0, d1) -> (0)>
module attributes {stable_mosaic.version = 14 : i64} {
  func.func @_emb_kernel(%arg0: i32, %arg1: i32, %arg2: memref<1000000x64xf32, #tpu.memory_space<hbm>>, %arg3: memref<819200xi32, #tpu.memory_space<hbm>>, %arg4: memref<819200x64xf32, #tpu.memory_space<hbm>>, %arg5: memref<512xi32, #tpu.memory_space<vmem>>, %arg6: memref<512x64xf32, #tpu.memory_space<vmem>>, %arg7: memref<!tpu.dma_semaphore, #tpu.memory_space<semaphore_mem>>) attributes {dimension_semantics = [#tpu.dimension_semantics<core_parallel>, #tpu.dimension_semantics<subcore_parallel>], iteration_bounds = array<i64: 2, 16>, scalar_prefetch = 0 : i64, scratch_operands = 3 : i64, tpu.core_type = #tpu.core_type<sc_vector_subcore>, window_params = [{transform_indices = #map}, {transform_indices = #map1}, {transform_indices = #map}]} {
    %mul3A = arith.constant 2 : i32
    %mul3A_0 = arith.muli %arg1, %mul3A : i32
    %add3A = arith.addi %mul3A_0, %arg0 : i32
    %mul3A_1 = arith.constant 25600 : i32
    %mul3A_2 = arith.muli %add3A, %mul3A_1 : i32
    %scan3A = arith.constant 0 : i32
    %scan3A_3 = arith.constant 50 : i32
    %scan3A_4 = arith.addi %scan3A, %scan3A_3 : i32
    %scan3A_5 = arith.constant 1 : i32
    scf.for %scan3A_7 = %scan3A to %scan3A_4 step %scan3A_5  : i32 {
      %mul3A_8 = arith.constant 512 : i32
      %mul3A_9 = arith.muli %scan3A_7, %mul3A_8 : i32
      %add3A_10 = arith.addi %mul3A_2, %mul3A_9 : i32
      "tpu.region"() ({
        %run_scoped3A = tpu.sem_alloc : memref<!tpu.dma_semaphore, #tpu.memory_space<semaphore_mem>>
        %dma_start3A_20 = tpu.memref_slice %arg3[%add3A_10] : memref<819200xi32, #tpu.memory_space<hbm>> -> memref<512xi32, #tpu.memory_space<hbm>>
        %dma_start3A_21 = tpu.memref_slice %arg3[%add3A_10] : memref<819200xi32, #tpu.memory_space<hbm>> -> memref<512xi32, #tpu.memory_space<hbm>>
        tpu.enqueue_dma source(%dma_start3A_21 : memref<512xi32, #tpu.memory_space<hbm>>) target(%arg5 : memref<512xi32, #tpu.memory_space<vmem>>) target_semaphore(%run_scoped3A : memref<!tpu.dma_semaphore, #tpu.memory_space<semaphore_mem>>)
        %dma_wait3A_22 = tpu.memref_slice %arg3[%add3A_10] : memref<819200xi32, #tpu.memory_space<hbm>> -> memref<512xi32, #tpu.memory_space<hbm>>
        %dma_wait3A_23 = tpu.memref_slice %arg3[%add3A_10] : memref<819200xi32, #tpu.memory_space<hbm>> -> memref<512xi32, #tpu.memory_space<hbm>>
        tpu.wait_dma2 semaphore(%run_scoped3A : memref<!tpu.dma_semaphore, #tpu.memory_space<semaphore_mem>>) src(%dma_wait3A_23 : memref<512xi32, #tpu.memory_space<hbm>>) dst(%arg5 : memref<512xi32, #tpu.memory_space<vmem>>)
        tpu.yield
      }) : () -> ()
      %dma_start3A = arith.constant 0 : i32
      %dma_start3A_11 = arith.constant 0 : i32
      %dma_start3A_12 = tpu.memref_slice %arg2[%dma_start3A, %dma_start3A_11] : memref<1000000x64xf32, #tpu.memory_space<hbm>> -> memref<1000000x64xf32, #tpu.memory_space<hbm>>
      tpu.enqueue_indirect_dma source(%dma_start3A_12 : memref<1000000x64xf32, #tpu.memory_space<hbm>>) target(%arg6 : memref<512x64xf32, #tpu.memory_space<vmem>>) offsets(%arg5 : memref<512xi32, #tpu.memory_space<vmem>>) semaphore(%arg7 : memref<!tpu.dma_semaphore, #tpu.memory_space<semaphore_mem>>)
      %dma_wait3A = arith.constant 0 : i32
      %dma_wait3A_13 = arith.constant 0 : i32
      %dma_wait3A_14 = tpu.memref_slice %arg2[%dma_wait3A, %dma_wait3A_13] : memref<1000000x64xf32, #tpu.memory_space<hbm>> -> memref<1000000x64xf32, #tpu.memory_space<hbm>>
      tpu.wait_indirect_dma semaphore(%arg7 : memref<!tpu.dma_semaphore, #tpu.memory_space<semaphore_mem>>) src(%dma_wait3A_14 : memref<1000000x64xf32, #tpu.memory_space<hbm>>) dst(%arg6 : memref<512x64xf32, #tpu.memory_space<vmem>>)
      %scan3A_15 = arith.constant 0 : i32
      %scan3A_16 = arith.constant 512 : i32
      %scan3A_17 = arith.addi %scan3A_15, %scan3A_16 : i32
      %scan3A_18 = arith.constant 8 : i32
      scf.for %scan3A_20 = %scan3A_15 to %scan3A_17 step %scan3A_18  : i32 {
        %get3A = arith.index_cast %scan3A_20 : i32 to index
        %get3A_21 = arith.constant 0 : index
        %get3A_22 = tpu.vector_load %arg6[%get3A, %get3A_21] {strides = array<i32>} : memref<512x64xf32, #tpu.memory_space<vmem>>, vector<1x16xf32>,
        %get3A_23 = vector.shape_cast %get3A_22 : vector<1x16xf32> to vector<16xf32>
        %mul3A_24 = arith.constant 8.000000e+00 : f32
        %mul3A_25 = vector.broadcast %mul3A_24 : f32 to vector<16xf32>
        %mul3A_26 = arith.mulf %get3A_23, %mul3A_25 : vector<16xf32>
        %swap3A = arith.index_cast %scan3A_20 : i32 to index
        %swap3A_27 = arith.constant 0 : index
        %swap3A_28 = tpu.vector_load %arg6[%swap3A, %swap3A_27] {strides = array<i32>} : memref<512x64xf32, #tpu.memory_space<vmem>>, vector<1x16xf32>,
        %swap3A_29 = vector.shape_cast %swap3A_28 : vector<1x16xf32> to vector<16xf32>
        %swap3A_30 = vector.shape_cast %mul3A_26 : vector<16xf32> to vector<1x16xf32>
        tpu.vector_store %arg6[%swap3A, %swap3A_27], %swap3A_30 {strides = array<i32>} : memref<512x64xf32, #tpu.memory_space<vmem>>, vector<1x16xf32>,
        %get3A_31 = arith.index_cast %scan3A_20 : i32 to index
        %get3A_32 = arith.constant 16 : index
        %get3A_33 = tpu.vector_load %arg6[%get3A_31, %get3A_32] {strides = array<i32>} : memref<512x64xf32, #tpu.memory_space<vmem>>, vector<1x16xf32>,
        %get3A_34 = vector.shape_cast %get3A_33 : vector<1x16xf32> to vector<16xf32>
        %mul3A_35 = arith.constant 8.000000e+00 : f32
        %mul3A_36 = vector.broadcast %mul3A_35 : f32 to vector<16xf32>
        %mul3A_37 = arith.mulf %get3A_34, %mul3A_36 : vector<16xf32>
        %swap3A_38 = arith.index_cast %scan3A_20 : i32 to index
        %swap3A_39 = arith.constant 16 : index
        %swap3A_40 = tpu.vector_load %arg6[%swap3A_38, %swap3A_39] {strides = array<i32>} : memref<512x64xf32, #tpu.memory_space<vmem>>, vector<1x16xf32>,
        %swap3A_41 = vector.shape_cast %swap3A_40 : vector<1x16xf32> to vector<16xf32>
        %swap3A_42 = vector.shape_cast %mul3A_37 : vector<16xf32> to vector<1x16xf32>
        tpu.vector_store %arg6[%swap3A_38, %swap3A_39], %swap3A_42 {strides = array<i32>} : memref<512x64xf32, #tpu.memory_space<vmem>>, vector<1x16xf32>,
        %get3A_43 = arith.index_cast %scan3A_20 : i32 to index
        %get3A_44 = arith.constant 32 : index
        %get3A_45 = tpu.vector_load %arg6[%get3A_43, %get3A_44] {strides = array<i32>} : memref<512x64xf32, #tpu.memory_space<vmem>>, vector<1x16xf32>,
        %get3A_46 = vector.shape_cast %get3A_45 : vector<1x16xf32> to vector<16xf32>
        %mul3A_47 = arith.constant 8.000000e+00 : f32
        %mul3A_48 = vector.broadcast %mul3A_47 : f32 to vector<16xf32>
        %mul3A_49 = arith.mulf %get3A_46, %mul3A_48 : vector<16xf32>
        %swap3A_50 = arith.index_cast %scan3A_20 : i32 to index
        %swap3A_51 = arith.constant 32 : index
        %swap3A_52 = tpu.vector_load %arg6[%swap3A_50, %swap3A_51] {strides = array<i32>} : memref<512x64xf32, #tpu.memory_space<vmem>>, vector<1x16xf32>,
        %swap3A_53 = vector.shape_cast %swap3A_52 : vector<1x16xf32> to vector<16xf32>
        %swap3A_54 = vector.shape_cast %mul3A_49 : vector<16xf32> to vector<1x16xf32>
        tpu.vector_store %arg6[%swap3A_50, %swap3A_51], %swap3A_54 {strides = array<i32>} : memref<512x64xf32, #tpu.memory_space<vmem>>, vector<1x16xf32>,
        %get3A_55 = arith.index_cast %scan3A_20 : i32 to index
        %get3A_56 = arith.constant 48 : index
        %get3A_57 = tpu.vector_load %arg6[%get3A_55, %get3A_56] {strides = array<i32>} : memref<512x64xf32, #tpu.memory_space<vmem>>, vector<1x16xf32>,
        %get3A_58 = vector.shape_cast %get3A_57 : vector<1x16xf32> to vector<16xf32>
        %mul3A_59 = arith.constant 8.000000e+00 : f32
        %mul3A_60 = vector.broadcast %mul3A_59 : f32 to vector<16xf32>
        %mul3A_61 = arith.mulf %get3A_58, %mul3A_60 : vector<16xf32>
        %swap3A_62 = arith.index_cast %scan3A_20 : i32 to index
        %swap3A_63 = arith.constant 48 : index
        %swap3A_64 = tpu.vector_load %arg6[%swap3A_62, %swap3A_63] {strides = array<i32>} : memref<512x64xf32, #tpu.memory_space<vmem>>, vector<1x16xf32>,
        %swap3A_65 = vector.shape_cast %swap3A_64 : vector<1x16xf32> to vector<16xf32>
        %swap3A_66 = vector.shape_cast %mul3A_61 : vector<16xf32> to vector<1x16xf32>
        tpu.vector_store %arg6[%swap3A_62, %swap3A_63], %swap3A_66 {strides = array<i32>} : memref<512x64xf32, #tpu.memory_space<vmem>>, vector<1x16xf32>,
        %scan3A_67 = arith.constant 1 : i32
        %scan3A_68 = arith.addi %scan3A_20, %scan3A_67 : i32
        %get3A_69 = arith.index_cast %scan3A_68 : i32 to index
        %get3A_70 = arith.constant 0 : index
        %get3A_71 = tpu.vector_load %arg6[%get3A_69, %get3A_70] {strides = array<i32>} : memref<512x64xf32, #tpu.memory_space<vmem>>, vector<1x16xf32>,
        %get3A_72 = vector.shape_cast %get3A_71 : vector<1x16xf32> to vector<16xf32>
        %mul3A_73 = arith.constant 8.000000e+00 : f32
        %mul3A_74 = vector.broadcast %mul3A_73 : f32 to vector<16xf32>
        %mul3A_75 = arith.mulf %get3A_72, %mul3A_74 : vector<16xf32>
        %swap3A_76 = arith.index_cast %scan3A_68 : i32 to index
        %swap3A_77 = arith.constant 0 : index
        %swap3A_78 = tpu.vector_load %arg6[%swap3A_76, %swap3A_77] {strides = array<i32>} : memref<512x64xf32, #tpu.memory_space<vmem>>, vector<1x16xf32>,
        %swap3A_79 = vector.shape_cast %swap3A_78 : vector<1x16xf32> to vector<16xf32>
        %swap3A_80 = vector.shape_cast %mul3A_75 : vector<16xf32> to vector<1x16xf32>
        tpu.vector_store %arg6[%swap3A_76, %swap3A_77], %swap3A_80 {strides = array<i32>} : memref<512x64xf32, #tpu.memory_space<vmem>>, vector<1x16xf32>,
        %get3A_81 = arith.index_cast %scan3A_68 : i32 to index
        %get3A_82 = arith.constant 16 : index
        %get3A_83 = tpu.vector_load %arg6[%get3A_81, %get3A_82] {strides = array<i32>} : memref<512x64xf32, #tpu.memory_space<vmem>>, vector<1x16xf32>,
        %get3A_84 = vector.shape_cast %get3A_83 : vector<1x16xf32> to vector<16xf32>
        %mul3A_85 = arith.constant 8.000000e+00 : f32
        %mul3A_86 = vector.broadcast %mul3A_85 : f32 to vector<16xf32>
        %mul3A_87 = arith.mulf %get3A_84, %mul3A_86 : vector<16xf32>
        %swap3A_88 = arith.index_cast %scan3A_68 : i32 to index
        %swap3A_89 = arith.constant 16 : index
        %swap3A_90 = tpu.vector_load %arg6[%swap3A_88, %swap3A_89] {strides = array<i32>} : memref<512x64xf32, #tpu.memory_space<vmem>>, vector<1x16xf32>,
        %swap3A_91 = vector.shape_cast %swap3A_90 : vector<1x16xf32> to vector<16xf32>
        %swap3A_92 = vector.shape_cast %mul3A_87 : vector<16xf32> to vector<1x16xf32>
        tpu.vector_store %arg6[%swap3A_88, %swap3A_89], %swap3A_92 {strides = array<i32>} : memref<512x64xf32, #tpu.memory_space<vmem>>, vector<1x16xf32>,
        %get3A_93 = arith.index_cast %scan3A_68 : i32 to index
        %get3A_94 = arith.constant 32 : index
        %get3A_95 = tpu.vector_load %arg6[%get3A_93, %get3A_94] {strides = array<i32>} : memref<512x64xf32, #tpu.memory_space<vmem>>, vector<1x16xf32>,
        %get3A_96 = vector.shape_cast %get3A_95 : vector<1x16xf32> to vector<16xf32>
        %mul3A_97 = arith.constant 8.000000e+00 : f32
        %mul3A_98 = vector.broadcast %mul3A_97 : f32 to vector<16xf32>
        %mul3A_99 = arith.mulf %get3A_96, %mul3A_98 : vector<16xf32>
        %swap3A_100 = arith.index_cast %scan3A_68 : i32 to index
        %swap3A_101 = arith.constant 32 : index
        %swap3A_102 = tpu.vector_load %arg6[%swap3A_100, %swap3A_101] {strides = array<i32>} : memref<512x64xf32, #tpu.memory_space<vmem>>, vector<1x16xf32>,
        %swap3A_103 = vector.shape_cast %swap3A_102 : vector<1x16xf32> to vector<16xf32>
        %swap3A_104 = vector.shape_cast %mul3A_99 : vector<16xf32> to vector<1x16xf32>
        tpu.vector_store %arg6[%swap3A_100, %swap3A_101], %swap3A_104 {strides = array<i32>} : memref<512x64xf32, #tpu.memory_space<vmem>>, vector<1x16xf32>,
        %get3A_105 = arith.index_cast %scan3A_68 : i32 to index
        %get3A_106 = arith.constant 48 : index
        %get3A_107 = tpu.vector_load %arg6[%get3A_105, %get3A_106] {strides = array<i32>} : memref<512x64xf32, #tpu.memory_space<vmem>>, vector<1x16xf32>,
        %get3A_108 = vector.shape_cast %get3A_107 : vector<1x16xf32> to vector<16xf32>
        %mul3A_109 = arith.constant 8.000000e+00 : f32
        %mul3A_110 = vector.broadcast %mul3A_109 : f32 to vector<16xf32>
        %mul3A_111 = arith.mulf %get3A_108, %mul3A_110 : vector<16xf32>
        %swap3A_112 = arith.index_cast %scan3A_68 : i32 to index
        %swap3A_113 = arith.constant 48 : index
        %swap3A_114 = tpu.vector_load %arg6[%swap3A_112, %swap3A_113] {strides = array<i32>} : memref<512x64xf32, #tpu.memory_space<vmem>>, vector<1x16xf32>,
        %swap3A_115 = vector.shape_cast %swap3A_114 : vector<1x16xf32> to vector<16xf32>
        %swap3A_116 = vector.shape_cast %mul3A_111 : vector<16xf32> to vector<1x16xf32>
        tpu.vector_store %arg6[%swap3A_112, %swap3A_113], %swap3A_116 {strides = array<i32>} : memref<512x64xf32, #tpu.memory_space<vmem>>, vector<1x16xf32>,
        %scan3A_117 = arith.constant 2 : i32
        %scan3A_118 = arith.addi %scan3A_20, %scan3A_117 : i32
        %get3A_119 = arith.index_cast %scan3A_118 : i32 to index
        %get3A_120 = arith.constant 0 : index
        %get3A_121 = tpu.vector_load %arg6[%get3A_119, %get3A_120] {strides = array<i32>} : memref<512x64xf32, #tpu.memory_space<vmem>>, vector<1x16xf32>,
        %get3A_122 = vector.shape_cast %get3A_121 : vector<1x16xf32> to vector<16xf32>
        %mul3A_123 = arith.constant 8.000000e+00 : f32
        %mul3A_124 = vector.broadcast %mul3A_123 : f32 to vector<16xf32>
        %mul3A_125 = arith.mulf %get3A_122, %mul3A_124 : vector<16xf32>
        %swap3A_126 = arith.index_cast %scan3A_118 : i32 to index
        %swap3A_127 = arith.constant 0 : index
        %swap3A_128 = tpu.vector_load %arg6[%swap3A_126, %swap3A_127] {strides = array<i32>} : memref<512x64xf32, #tpu.memory_space<vmem>>, vector<1x16xf32>,
        %swap3A_129 = vector.shape_cast %swap3A_128 : vector<1x16xf32> to vector<16xf32>
        %swap3A_130 = vector.shape_cast %mul3A_125 : vector<16xf32> to vector<1x16xf32>
        tpu.vector_store %arg6[%swap3A_126, %swap3A_127], %swap3A_130 {strides = array<i32>} : memref<512x64xf32, #tpu.memory_space<vmem>>, vector<1x16xf32>,
        %get3A_131 = arith.index_cast %scan3A_118 : i32 to index
        %get3A_132 = arith.constant 16 : index
        %get3A_133 = tpu.vector_load %arg6[%get3A_131, %get3A_132] {strides = array<i32>} : memref<512x64xf32, #tpu.memory_space<vmem>>, vector<1x16xf32>,
        %get3A_134 = vector.shape_cast %get3A_133 : vector<1x16xf32> to vector<16xf32>
        %mul3A_135 = arith.constant 8.000000e+00 : f32
        %mul3A_136 = vector.broadcast %mul3A_135 : f32 to vector<16xf32>
        %mul3A_137 = arith.mulf %get3A_134, %mul3A_136 : vector<16xf32>
        %swap3A_138 = arith.index_cast %scan3A_118 : i32 to index
        %swap3A_139 = arith.constant 16 : index
        %swap3A_140 = tpu.vector_load %arg6[%swap3A_138, %swap3A_139] {strides = array<i32>} : memref<512x64xf32, #tpu.memory_space<vmem>>, vector<1x16xf32>,
        %swap3A_141 = vector.shape_cast %swap3A_140 : vector<1x16xf32> to vector<16xf32>
        %swap3A_142 = vector.shape_cast %mul3A_137 : vector<16xf32> to vector<1x16xf32>
        tpu.vector_store %arg6[%swap3A_138, %swap3A_139], %swap3A_142 {strides = array<i32>} : memref<512x64xf32, #tpu.memory_space<vmem>>, vector<1x16xf32>,
        %get3A_143 = arith.index_cast %scan3A_118 : i32 to index
        %get3A_144 = arith.constant 32 : index
        %get3A_145 = tpu.vector_load %arg6[%get3A_143, %get3A_144] {strides = array<i32>} : memref<512x64xf32, #tpu.memory_space<vmem>>, vector<1x16xf32>,
        %get3A_146 = vector.shape_cast %get3A_145 : vector<1x16xf32> to vector<16xf32>
        %mul3A_147 = arith.constant 8.000000e+00 : f32
        %mul3A_148 = vector.broadcast %mul3A_147 : f32 to vector<16xf32>
        %mul3A_149 = arith.mulf %get3A_146, %mul3A_148 : vector<16xf32>
        %swap3A_150 = arith.index_cast %scan3A_118 : i32 to index
        %swap3A_151 = arith.constant 32 : index
        %swap3A_152 = tpu.vector_load %arg6[%swap3A_150, %swap3A_151] {strides = array<i32>} : memref<512x64xf32, #tpu.memory_space<vmem>>, vector<1x16xf32>,
        %swap3A_153 = vector.shape_cast %swap3A_152 : vector<1x16xf32> to vector<16xf32>
        %swap3A_154 = vector.shape_cast %mul3A_149 : vector<16xf32> to vector<1x16xf32>
        tpu.vector_store %arg6[%swap3A_150, %swap3A_151], %swap3A_154 {strides = array<i32>} : memref<512x64xf32, #tpu.memory_space<vmem>>, vector<1x16xf32>,
        %get3A_155 = arith.index_cast %scan3A_118 : i32 to index
        %get3A_156 = arith.constant 48 : index
        %get3A_157 = tpu.vector_load %arg6[%get3A_155, %get3A_156] {strides = array<i32>} : memref<512x64xf32, #tpu.memory_space<vmem>>, vector<1x16xf32>,
        %get3A_158 = vector.shape_cast %get3A_157 : vector<1x16xf32> to vector<16xf32>
        %mul3A_159 = arith.constant 8.000000e+00 : f32
        %mul3A_160 = vector.broadcast %mul3A_159 : f32 to vector<16xf32>
        %mul3A_161 = arith.mulf %get3A_158, %mul3A_160 : vector<16xf32>
        %swap3A_162 = arith.index_cast %scan3A_118 : i32 to index
        %swap3A_163 = arith.constant 48 : index
        %swap3A_164 = tpu.vector_load %arg6[%swap3A_162, %swap3A_163] {strides = array<i32>} : memref<512x64xf32, #tpu.memory_space<vmem>>, vector<1x16xf32>,
        %swap3A_165 = vector.shape_cast %swap3A_164 : vector<1x16xf32> to vector<16xf32>
        %swap3A_166 = vector.shape_cast %mul3A_161 : vector<16xf32> to vector<1x16xf32>
        tpu.vector_store %arg6[%swap3A_162, %swap3A_163], %swap3A_166 {strides = array<i32>} : memref<512x64xf32, #tpu.memory_space<vmem>>, vector<1x16xf32>,
        %scan3A_167 = arith.constant 3 : i32
        %scan3A_168 = arith.addi %scan3A_20, %scan3A_167 : i32
        %get3A_169 = arith.index_cast %scan3A_168 : i32 to index
        %get3A_170 = arith.constant 0 : index
        %get3A_171 = tpu.vector_load %arg6[%get3A_169, %get3A_170] {strides = array<i32>} : memref<512x64xf32, #tpu.memory_space<vmem>>, vector<1x16xf32>,
        %get3A_172 = vector.shape_cast %get3A_171 : vector<1x16xf32> to vector<16xf32>
        %mul3A_173 = arith.constant 8.000000e+00 : f32
        %mul3A_174 = vector.broadcast %mul3A_173 : f32 to vector<16xf32>
        %mul3A_175 = arith.mulf %get3A_172, %mul3A_174 : vector<16xf32>
        %swap3A_176 = arith.index_cast %scan3A_168 : i32 to index
        %swap3A_177 = arith.constant 0 : index
        %swap3A_178 = tpu.vector_load %arg6[%swap3A_176, %swap3A_177] {strides = array<i32>} : memref<512x64xf32, #tpu.memory_space<vmem>>, vector<1x16xf32>,
        %swap3A_179 = vector.shape_cast %swap3A_178 : vector<1x16xf32> to vector<16xf32>
        %swap3A_180 = vector.shape_cast %mul3A_175 : vector<16xf32> to vector<1x16xf32>
        tpu.vector_store %arg6[%swap3A_176, %swap3A_177], %swap3A_180 {strides = array<i32>} : memref<512x64xf32, #tpu.memory_space<vmem>>, vector<1x16xf32>,
        %get3A_181 = arith.index_cast %scan3A_168 : i32 to index
        %get3A_182 = arith.constant 16 : index
        %get3A_183 = tpu.vector_load %arg6[%get3A_181, %get3A_182] {strides = array<i32>} : memref<512x64xf32, #tpu.memory_space<vmem>>, vector<1x16xf32>,
        %get3A_184 = vector.shape_cast %get3A_183 : vector<1x16xf32> to vector<16xf32>
        %mul3A_185 = arith.constant 8.000000e+00 : f32
        %mul3A_186 = vector.broadcast %mul3A_185 : f32 to vector<16xf32>
        %mul3A_187 = arith.mulf %get3A_184, %mul3A_186 : vector<16xf32>
        %swap3A_188 = arith.index_cast %scan3A_168 : i32 to index
        %swap3A_189 = arith.constant 16 : index
        %swap3A_190 = tpu.vector_load %arg6[%swap3A_188, %swap3A_189] {strides = array<i32>} : memref<512x64xf32, #tpu.memory_space<vmem>>, vector<1x16xf32>,
        %swap3A_191 = vector.shape_cast %swap3A_190 : vector<1x16xf32> to vector<16xf32>
        %swap3A_192 = vector.shape_cast %mul3A_187 : vector<16xf32> to vector<1x16xf32>
        tpu.vector_store %arg6[%swap3A_188, %swap3A_189], %swap3A_192 {strides = array<i32>} : memref<512x64xf32, #tpu.memory_space<vmem>>, vector<1x16xf32>,
        %get3A_193 = arith.index_cast %scan3A_168 : i32 to index
        %get3A_194 = arith.constant 32 : index
        %get3A_195 = tpu.vector_load %arg6[%get3A_193, %get3A_194] {strides = array<i32>} : memref<512x64xf32, #tpu.memory_space<vmem>>, vector<1x16xf32>,
        %get3A_196 = vector.shape_cast %get3A_195 : vector<1x16xf32> to vector<16xf32>
        %mul3A_197 = arith.constant 8.000000e+00 : f32
        %mul3A_198 = vector.broadcast %mul3A_197 : f32 to vector<16xf32>
        %mul3A_199 = arith.mulf %get3A_196, %mul3A_198 : vector<16xf32>
        %swap3A_200 = arith.index_cast %scan3A_168 : i32 to index
        %swap3A_201 = arith.constant 32 : index
        %swap3A_202 = tpu.vector_load %arg6[%swap3A_200, %swap3A_201] {strides = array<i32>} : memref<512x64xf32, #tpu.memory_space<vmem>>, vector<1x16xf32>,
        %swap3A_203 = vector.shape_cast %swap3A_202 : vector<1x16xf32> to vector<16xf32>
        %swap3A_204 = vector.shape_cast %mul3A_199 : vector<16xf32> to vector<1x16xf32>
        tpu.vector_store %arg6[%swap3A_200, %swap3A_201], %swap3A_204 {strides = array<i32>} : memref<512x64xf32, #tpu.memory_space<vmem>>, vector<1x16xf32>,
        %get3A_205 = arith.index_cast %scan3A_168 : i32 to index
        %get3A_206 = arith.constant 48 : index
        %get3A_207 = tpu.vector_load %arg6[%get3A_205, %get3A_206] {strides = array<i32>} : memref<512x64xf32, #tpu.memory_space<vmem>>, vector<1x16xf32>,
        %get3A_208 = vector.shape_cast %get3A_207 : vector<1x16xf32> to vector<16xf32>
        %mul3A_209 = arith.constant 8.000000e+00 : f32
        %mul3A_210 = vector.broadcast %mul3A_209 : f32 to vector<16xf32>
        %mul3A_211 = arith.mulf %get3A_208, %mul3A_210 : vector<16xf32>
        %swap3A_212 = arith.index_cast %scan3A_168 : i32 to index
        %swap3A_213 = arith.constant 48 : index
        %swap3A_214 = tpu.vector_load %arg6[%swap3A_212, %swap3A_213] {strides = array<i32>} : memref<512x64xf32, #tpu.memory_space<vmem>>, vector<1x16xf32>,
        %swap3A_215 = vector.shape_cast %swap3A_214 : vector<1x16xf32> to vector<16xf32>
        %swap3A_216 = vector.shape_cast %mul3A_211 : vector<16xf32> to vector<1x16xf32>
        tpu.vector_store %arg6[%swap3A_212, %swap3A_213], %swap3A_216 {strides = array<i32>} : memref<512x64xf32, #tpu.memory_space<vmem>>, vector<1x16xf32>,
        %scan3A_217 = arith.constant 4 : i32
        %scan3A_218 = arith.addi %scan3A_20, %scan3A_217 : i32
        %get3A_219 = arith.index_cast %scan3A_218 : i32 to index
        %get3A_220 = arith.constant 0 : index
        %get3A_221 = tpu.vector_load %arg6[%get3A_219, %get3A_220] {strides = array<i32>} : memref<512x64xf32, #tpu.memory_space<vmem>>, vector<1x16xf32>,
        %get3A_222 = vector.shape_cast %get3A_221 : vector<1x16xf32> to vector<16xf32>
        %mul3A_223 = arith.constant 8.000000e+00 : f32
        %mul3A_224 = vector.broadcast %mul3A_223 : f32 to vector<16xf32>
        %mul3A_225 = arith.mulf %get3A_222, %mul3A_224 : vector<16xf32>
        %swap3A_226 = arith.index_cast %scan3A_218 : i32 to index
        %swap3A_227 = arith.constant 0 : index
        %swap3A_228 = tpu.vector_load %arg6[%swap3A_226, %swap3A_227] {strides = array<i32>} : memref<512x64xf32, #tpu.memory_space<vmem>>, vector<1x16xf32>,
        %swap3A_229 = vector.shape_cast %swap3A_228 : vector<1x16xf32> to vector<16xf32>
        %swap3A_230 = vector.shape_cast %mul3A_225 : vector<16xf32> to vector<1x16xf32>
        tpu.vector_store %arg6[%swap3A_226, %swap3A_227], %swap3A_230 {strides = array<i32>} : memref<512x64xf32, #tpu.memory_space<vmem>>, vector<1x16xf32>,
        %get3A_231 = arith.index_cast %scan3A_218 : i32 to index
        %get3A_232 = arith.constant 16 : index
        %get3A_233 = tpu.vector_load %arg6[%get3A_231, %get3A_232] {strides = array<i32>} : memref<512x64xf32, #tpu.memory_space<vmem>>, vector<1x16xf32>,
        %get3A_234 = vector.shape_cast %get3A_233 : vector<1x16xf32> to vector<16xf32>
        %mul3A_235 = arith.constant 8.000000e+00 : f32
        %mul3A_236 = vector.broadcast %mul3A_235 : f32 to vector<16xf32>
        %mul3A_237 = arith.mulf %get3A_234, %mul3A_236 : vector<16xf32>
        %swap3A_238 = arith.index_cast %scan3A_218 : i32 to index
        %swap3A_239 = arith.constant 16 : index
        %swap3A_240 = tpu.vector_load %arg6[%swap3A_238, %swap3A_239] {strides = array<i32>} : memref<512x64xf32, #tpu.memory_space<vmem>>, vector<1x16xf32>,
        %swap3A_241 = vector.shape_cast %swap3A_240 : vector<1x16xf32> to vector<16xf32>
        %swap3A_242 = vector.shape_cast %mul3A_237 : vector<16xf32> to vector<1x16xf32>
        tpu.vector_store %arg6[%swap3A_238, %swap3A_239], %swap3A_242 {strides = array<i32>} : memref<512x64xf32, #tpu.memory_space<vmem>>, vector<1x16xf32>,
        %get3A_243 = arith.index_cast %scan3A_218 : i32 to index
        %get3A_244 = arith.constant 32 : index
        %get3A_245 = tpu.vector_load %arg6[%get3A_243, %get3A_244] {strides = array<i32>} : memref<512x64xf32, #tpu.memory_space<vmem>>, vector<1x16xf32>,
        %get3A_246 = vector.shape_cast %get3A_245 : vector<1x16xf32> to vector<16xf32>
        %mul3A_247 = arith.constant 8.000000e+00 : f32
        %mul3A_248 = vector.broadcast %mul3A_247 : f32 to vector<16xf32>
        %mul3A_249 = arith.mulf %get3A_246, %mul3A_248 : vector<16xf32>
        %swap3A_250 = arith.index_cast %scan3A_218 : i32 to index
        %swap3A_251 = arith.constant 32 : index
        %swap3A_252 = tpu.vector_load %arg6[%swap3A_250, %swap3A_251] {strides = array<i32>} : memref<512x64xf32, #tpu.memory_space<vmem>>, vector<1x16xf32>,
        %swap3A_253 = vector.shape_cast %swap3A_252 : vector<1x16xf32> to vector<16xf32>
        %swap3A_254 = vector.shape_cast %mul3A_249 : vector<16xf32> to vector<1x16xf32>
        tpu.vector_store %arg6[%swap3A_250, %swap3A_251], %swap3A_254 {strides = array<i32>} : memref<512x64xf32, #tpu.memory_space<vmem>>, vector<1x16xf32>,
        %get3A_255 = arith.index_cast %scan3A_218 : i32 to index
        %get3A_256 = arith.constant 48 : index
        %get3A_257 = tpu.vector_load %arg6[%get3A_255, %get3A_256] {strides = array<i32>} : memref<512x64xf32, #tpu.memory_space<vmem>>, vector<1x16xf32>,
        %get3A_258 = vector.shape_cast %get3A_257 : vector<1x16xf32> to vector<16xf32>
        %mul3A_259 = arith.constant 8.000000e+00 : f32
        %mul3A_260 = vector.broadcast %mul3A_259 : f32 to vector<16xf32>
        %mul3A_261 = arith.mulf %get3A_258, %mul3A_260 : vector<16xf32>
        %swap3A_262 = arith.index_cast %scan3A_218 : i32 to index
        %swap3A_263 = arith.constant 48 : index
        %swap3A_264 = tpu.vector_load %arg6[%swap3A_262, %swap3A_263] {strides = array<i32>} : memref<512x64xf32, #tpu.memory_space<vmem>>, vector<1x16xf32>,
        %swap3A_265 = vector.shape_cast %swap3A_264 : vector<1x16xf32> to vector<16xf32>
        %swap3A_266 = vector.shape_cast %mul3A_261 : vector<16xf32> to vector<1x16xf32>
        tpu.vector_store %arg6[%swap3A_262, %swap3A_263], %swap3A_266 {strides = array<i32>} : memref<512x64xf32, #tpu.memory_space<vmem>>, vector<1x16xf32>,
        %scan3A_267 = arith.constant 5 : i32
        %scan3A_268 = arith.addi %scan3A_20, %scan3A_267 : i32
        %get3A_269 = arith.index_cast %scan3A_268 : i32 to index
        %get3A_270 = arith.constant 0 : index
        %get3A_271 = tpu.vector_load %arg6[%get3A_269, %get3A_270] {strides = array<i32>} : memref<512x64xf32, #tpu.memory_space<vmem>>, vector<1x16xf32>,
        %get3A_272 = vector.shape_cast %get3A_271 : vector<1x16xf32> to vector<16xf32>
        %mul3A_273 = arith.constant 8.000000e+00 : f32
        %mul3A_274 = vector.broadcast %mul3A_273 : f32 to vector<16xf32>
        %mul3A_275 = arith.mulf %get3A_272, %mul3A_274 : vector<16xf32>
        %swap3A_276 = arith.index_cast %scan3A_268 : i32 to index
        %swap3A_277 = arith.constant 0 : index
        %swap3A_278 = tpu.vector_load %arg6[%swap3A_276, %swap3A_277] {strides = array<i32>} : memref<512x64xf32, #tpu.memory_space<vmem>>, vector<1x16xf32>,
        %swap3A_279 = vector.shape_cast %swap3A_278 : vector<1x16xf32> to vector<16xf32>
        %swap3A_280 = vector.shape_cast %mul3A_275 : vector<16xf32> to vector<1x16xf32>
        tpu.vector_store %arg6[%swap3A_276, %swap3A_277], %swap3A_280 {strides = array<i32>} : memref<512x64xf32, #tpu.memory_space<vmem>>, vector<1x16xf32>,
        %get3A_281 = arith.index_cast %scan3A_268 : i32 to index
        %get3A_282 = arith.constant 16 : index
        %get3A_283 = tpu.vector_load %arg6[%get3A_281, %get3A_282] {strides = array<i32>} : memref<512x64xf32, #tpu.memory_space<vmem>>, vector<1x16xf32>,
        %get3A_284 = vector.shape_cast %get3A_283 : vector<1x16xf32> to vector<16xf32>
        %mul3A_285 = arith.constant 8.000000e+00 : f32
        %mul3A_286 = vector.broadcast %mul3A_285 : f32 to vector<16xf32>
        %mul3A_287 = arith.mulf %get3A_284, %mul3A_286 : vector<16xf32>
        %swap3A_288 = arith.index_cast %scan3A_268 : i32 to index
        %swap3A_289 = arith.constant 16 : index
        %swap3A_290 = tpu.vector_load %arg6[%swap3A_288, %swap3A_289] {strides = array<i32>} : memref<512x64xf32, #tpu.memory_space<vmem>>, vector<1x16xf32>,
        %swap3A_291 = vector.shape_cast %swap3A_290 : vector<1x16xf32> to vector<16xf32>
        %swap3A_292 = vector.shape_cast %mul3A_287 : vector<16xf32> to vector<1x16xf32>
        tpu.vector_store %arg6[%swap3A_288, %swap3A_289], %swap3A_292 {strides = array<i32>} : memref<512x64xf32, #tpu.memory_space<vmem>>, vector<1x16xf32>,
        %get3A_293 = arith.index_cast %scan3A_268 : i32 to index
        %get3A_294 = arith.constant 32 : index
        %get3A_295 = tpu.vector_load %arg6[%get3A_293, %get3A_294] {strides = array<i32>} : memref<512x64xf32, #tpu.memory_space<vmem>>, vector<1x16xf32>,
        %get3A_296 = vector.shape_cast %get3A_295 : vector<1x16xf32> to vector<16xf32>
        %mul3A_297 = arith.constant 8.000000e+00 : f32
        %mul3A_298 = vector.broadcast %mul3A_297 : f32 to vector<16xf32>
        %mul3A_299 = arith.mulf %get3A_296, %mul3A_298 : vector<16xf32>
        %swap3A_300 = arith.index_cast %scan3A_268 : i32 to index
        %swap3A_301 = arith.constant 32 : index
        %swap3A_302 = tpu.vector_load %arg6[%swap3A_300, %swap3A_301] {strides = array<i32>} : memref<512x64xf32, #tpu.memory_space<vmem>>, vector<1x16xf32>,
        %swap3A_303 = vector.shape_cast %swap3A_302 : vector<1x16xf32> to vector<16xf32>
        %swap3A_304 = vector.shape_cast %mul3A_299 : vector<16xf32> to vector<1x16xf32>
        tpu.vector_store %arg6[%swap3A_300, %swap3A_301], %swap3A_304 {strides = array<i32>} : memref<512x64xf32, #tpu.memory_space<vmem>>, vector<1x16xf32>,
        %get3A_305 = arith.index_cast %scan3A_268 : i32 to index
        %get3A_306 = arith.constant 48 : index
        %get3A_307 = tpu.vector_load %arg6[%get3A_305, %get3A_306] {strides = array<i32>} : memref<512x64xf32, #tpu.memory_space<vmem>>, vector<1x16xf32>,
        %get3A_308 = vector.shape_cast %get3A_307 : vector<1x16xf32> to vector<16xf32>
        %mul3A_309 = arith.constant 8.000000e+00 : f32
        %mul3A_310 = vector.broadcast %mul3A_309 : f32 to vector<16xf32>
        %mul3A_311 = arith.mulf %get3A_308, %mul3A_310 : vector<16xf32>
        %swap3A_312 = arith.index_cast %scan3A_268 : i32 to index
        %swap3A_313 = arith.constant 48 : index
        %swap3A_314 = tpu.vector_load %arg6[%swap3A_312, %swap3A_313] {strides = array<i32>} : memref<512x64xf32, #tpu.memory_space<vmem>>, vector<1x16xf32>,
        %swap3A_315 = vector.shape_cast %swap3A_314 : vector<1x16xf32> to vector<16xf32>
        %swap3A_316 = vector.shape_cast %mul3A_311 : vector<16xf32> to vector<1x16xf32>
        tpu.vector_store %arg6[%swap3A_312, %swap3A_313], %swap3A_316 {strides = array<i32>} : memref<512x64xf32, #tpu.memory_space<vmem>>, vector<1x16xf32>,
        %scan3A_317 = arith.constant 6 : i32
        %scan3A_318 = arith.addi %scan3A_20, %scan3A_317 : i32
        %get3A_319 = arith.index_cast %scan3A_318 : i32 to index
        %get3A_320 = arith.constant 0 : index
        %get3A_321 = tpu.vector_load %arg6[%get3A_319, %get3A_320] {strides = array<i32>} : memref<512x64xf32, #tpu.memory_space<vmem>>, vector<1x16xf32>,
        %get3A_322 = vector.shape_cast %get3A_321 : vector<1x16xf32> to vector<16xf32>
        %mul3A_323 = arith.constant 8.000000e+00 : f32
        %mul3A_324 = vector.broadcast %mul3A_323 : f32 to vector<16xf32>
        %mul3A_325 = arith.mulf %get3A_322, %mul3A_324 : vector<16xf32>
        %swap3A_326 = arith.index_cast %scan3A_318 : i32 to index
        %swap3A_327 = arith.constant 0 : index
        %swap3A_328 = tpu.vector_load %arg6[%swap3A_326, %swap3A_327] {strides = array<i32>} : memref<512x64xf32, #tpu.memory_space<vmem>>, vector<1x16xf32>,
        %swap3A_329 = vector.shape_cast %swap3A_328 : vector<1x16xf32> to vector<16xf32>
        %swap3A_330 = vector.shape_cast %mul3A_325 : vector<16xf32> to vector<1x16xf32>
        tpu.vector_store %arg6[%swap3A_326, %swap3A_327], %swap3A_330 {strides = array<i32>} : memref<512x64xf32, #tpu.memory_space<vmem>>, vector<1x16xf32>,
        %get3A_331 = arith.index_cast %scan3A_318 : i32 to index
        %get3A_332 = arith.constant 16 : index
        %get3A_333 = tpu.vector_load %arg6[%get3A_331, %get3A_332] {strides = array<i32>} : memref<512x64xf32, #tpu.memory_space<vmem>>, vector<1x16xf32>,
        %get3A_334 = vector.shape_cast %get3A_333 : vector<1x16xf32> to vector<16xf32>
        %mul3A_335 = arith.constant 8.000000e+00 : f32
        %mul3A_336 = vector.broadcast %mul3A_335 : f32 to vector<16xf32>
        %mul3A_337 = arith.mulf %get3A_334, %mul3A_336 : vector<16xf32>
        %swap3A_338 = arith.index_cast %scan3A_318 : i32 to index
        %swap3A_339 = arith.constant 16 : index
        %swap3A_340 = tpu.vector_load %arg6[%swap3A_338, %swap3A_339] {strides = array<i32>} : memref<512x64xf32, #tpu.memory_space<vmem>>, vector<1x16xf32>,
        %swap3A_341 = vector.shape_cast %swap3A_340 : vector<1x16xf32> to vector<16xf32>
        %swap3A_342 = vector.shape_cast %mul3A_337 : vector<16xf32> to vector<1x16xf32>
        tpu.vector_store %arg6[%swap3A_338, %swap3A_339], %swap3A_342 {strides = array<i32>} : memref<512x64xf32, #tpu.memory_space<vmem>>, vector<1x16xf32>,
        %get3A_343 = arith.index_cast %scan3A_318 : i32 to index
        %get3A_344 = arith.constant 32 : index
        %get3A_345 = tpu.vector_load %arg6[%get3A_343, %get3A_344] {strides = array<i32>} : memref<512x64xf32, #tpu.memory_space<vmem>>, vector<1x16xf32>,
        %get3A_346 = vector.shape_cast %get3A_345 : vector<1x16xf32> to vector<16xf32>
        %mul3A_347 = arith.constant 8.000000e+00 : f32
        %mul3A_348 = vector.broadcast %mul3A_347 : f32 to vector<16xf32>
        %mul3A_349 = arith.mulf %get3A_346, %mul3A_348 : vector<16xf32>
        %swap3A_350 = arith.index_cast %scan3A_318 : i32 to index
        %swap3A_351 = arith.constant 32 : index
        %swap3A_352 = tpu.vector_load %arg6[%swap3A_350, %swap3A_351] {strides = array<i32>} : memref<512x64xf32, #tpu.memory_space<vmem>>, vector<1x16xf32>,
        %swap3A_353 = vector.shape_cast %swap3A_352 : vector<1x16xf32> to vector<16xf32>
        %swap3A_354 = vector.shape_cast %mul3A_349 : vector<16xf32> to vector<1x16xf32>
        tpu.vector_store %arg6[%swap3A_350, %swap3A_351], %swap3A_354 {strides = array<i32>} : memref<512x64xf32, #tpu.memory_space<vmem>>, vector<1x16xf32>,
        %get3A_355 = arith.index_cast %scan3A_318 : i32 to index
        %get3A_356 = arith.constant 48 : index
        %get3A_357 = tpu.vector_load %arg6[%get3A_355, %get3A_356] {strides = array<i32>} : memref<512x64xf32, #tpu.memory_space<vmem>>, vector<1x16xf32>,
        %get3A_358 = vector.shape_cast %get3A_357 : vector<1x16xf32> to vector<16xf32>
        %mul3A_359 = arith.constant 8.000000e+00 : f32
        %mul3A_360 = vector.broadcast %mul3A_359 : f32 to vector<16xf32>
        %mul3A_361 = arith.mulf %get3A_358, %mul3A_360 : vector<16xf32>
        %swap3A_362 = arith.index_cast %scan3A_318 : i32 to index
        %swap3A_363 = arith.constant 48 : index
        %swap3A_364 = tpu.vector_load %arg6[%swap3A_362, %swap3A_363] {strides = array<i32>} : memref<512x64xf32, #tpu.memory_space<vmem>>, vector<1x16xf32>,
        %swap3A_365 = vector.shape_cast %swap3A_364 : vector<1x16xf32> to vector<16xf32>
        %swap3A_366 = vector.shape_cast %mul3A_361 : vector<16xf32> to vector<1x16xf32>
        tpu.vector_store %arg6[%swap3A_362, %swap3A_363], %swap3A_366 {strides = array<i32>} : memref<512x64xf32, #tpu.memory_space<vmem>>, vector<1x16xf32>,
        %scan3A_367 = arith.constant 7 : i32
        %scan3A_368 = arith.addi %scan3A_20, %scan3A_367 : i32
        %get3A_369 = arith.index_cast %scan3A_368 : i32 to index
        %get3A_370 = arith.constant 0 : index
        %get3A_371 = tpu.vector_load %arg6[%get3A_369, %get3A_370] {strides = array<i32>} : memref<512x64xf32, #tpu.memory_space<vmem>>, vector<1x16xf32>,
        %get3A_372 = vector.shape_cast %get3A_371 : vector<1x16xf32> to vector<16xf32>
        %mul3A_373 = arith.constant 8.000000e+00 : f32
        %mul3A_374 = vector.broadcast %mul3A_373 : f32 to vector<16xf32>
        %mul3A_375 = arith.mulf %get3A_372, %mul3A_374 : vector<16xf32>
        %swap3A_376 = arith.index_cast %scan3A_368 : i32 to index
        %swap3A_377 = arith.constant 0 : index
        %swap3A_378 = tpu.vector_load %arg6[%swap3A_376, %swap3A_377] {strides = array<i32>} : memref<512x64xf32, #tpu.memory_space<vmem>>, vector<1x16xf32>,
        %swap3A_379 = vector.shape_cast %swap3A_378 : vector<1x16xf32> to vector<16xf32>
        %swap3A_380 = vector.shape_cast %mul3A_375 : vector<16xf32> to vector<1x16xf32>
        tpu.vector_store %arg6[%swap3A_376, %swap3A_377], %swap3A_380 {strides = array<i32>} : memref<512x64xf32, #tpu.memory_space<vmem>>, vector<1x16xf32>,
        %get3A_381 = arith.index_cast %scan3A_368 : i32 to index
        %get3A_382 = arith.constant 16 : index
        %get3A_383 = tpu.vector_load %arg6[%get3A_381, %get3A_382] {strides = array<i32>} : memref<512x64xf32, #tpu.memory_space<vmem>>, vector<1x16xf32>,
        %get3A_384 = vector.shape_cast %get3A_383 : vector<1x16xf32> to vector<16xf32>
        %mul3A_385 = arith.constant 8.000000e+00 : f32
        %mul3A_386 = vector.broadcast %mul3A_385 : f32 to vector<16xf32>
        %mul3A_387 = arith.mulf %get3A_384, %mul3A_386 : vector<16xf32>
        %swap3A_388 = arith.index_cast %scan3A_368 : i32 to index
        %swap3A_389 = arith.constant 16 : index
        %swap3A_390 = tpu.vector_load %arg6[%swap3A_388, %swap3A_389] {strides = array<i32>} : memref<512x64xf32, #tpu.memory_space<vmem>>, vector<1x16xf32>,
        %swap3A_391 = vector.shape_cast %swap3A_390 : vector<1x16xf32> to vector<16xf32>
        %swap3A_392 = vector.shape_cast %mul3A_387 : vector<16xf32> to vector<1x16xf32>
        tpu.vector_store %arg6[%swap3A_388, %swap3A_389], %swap3A_392 {strides = array<i32>} : memref<512x64xf32, #tpu.memory_space<vmem>>, vector<1x16xf32>,
        %get3A_393 = arith.index_cast %scan3A_368 : i32 to index
        %get3A_394 = arith.constant 32 : index
        %get3A_395 = tpu.vector_load %arg6[%get3A_393, %get3A_394] {strides = array<i32>} : memref<512x64xf32, #tpu.memory_space<vmem>>, vector<1x16xf32>,
        %get3A_396 = vector.shape_cast %get3A_395 : vector<1x16xf32> to vector<16xf32>
        %mul3A_397 = arith.constant 8.000000e+00 : f32
        %mul3A_398 = vector.broadcast %mul3A_397 : f32 to vector<16xf32>
        %mul3A_399 = arith.mulf %get3A_396, %mul3A_398 : vector<16xf32>
        %swap3A_400 = arith.index_cast %scan3A_368 : i32 to index
        %swap3A_401 = arith.constant 32 : index
        %swap3A_402 = tpu.vector_load %arg6[%swap3A_400, %swap3A_401] {strides = array<i32>} : memref<512x64xf32, #tpu.memory_space<vmem>>, vector<1x16xf32>,
        %swap3A_403 = vector.shape_cast %swap3A_402 : vector<1x16xf32> to vector<16xf32>
        %swap3A_404 = vector.shape_cast %mul3A_399 : vector<16xf32> to vector<1x16xf32>
        tpu.vector_store %arg6[%swap3A_400, %swap3A_401], %swap3A_404 {strides = array<i32>} : memref<512x64xf32, #tpu.memory_space<vmem>>, vector<1x16xf32>,
        %get3A_405 = arith.index_cast %scan3A_368 : i32 to index
        %get3A_406 = arith.constant 48 : index
        %get3A_407 = tpu.vector_load %arg6[%get3A_405, %get3A_406] {strides = array<i32>} : memref<512x64xf32, #tpu.memory_space<vmem>>, vector<1x16xf32>,
        %get3A_408 = vector.shape_cast %get3A_407 : vector<1x16xf32> to vector<16xf32>
        %mul3A_409 = arith.constant 8.000000e+00 : f32
        %mul3A_410 = vector.broadcast %mul3A_409 : f32 to vector<16xf32>
        %mul3A_411 = arith.mulf %get3A_408, %mul3A_410 : vector<16xf32>
        %swap3A_412 = arith.index_cast %scan3A_368 : i32 to index
        %swap3A_413 = arith.constant 48 : index
        %swap3A_414 = tpu.vector_load %arg6[%swap3A_412, %swap3A_413] {strides = array<i32>} : memref<512x64xf32, #tpu.memory_space<vmem>>, vector<1x16xf32>,
        %swap3A_415 = vector.shape_cast %swap3A_414 : vector<1x16xf32> to vector<16xf32>
        %swap3A_416 = vector.shape_cast %mul3A_411 : vector<16xf32> to vector<1x16xf32>
        tpu.vector_store %arg6[%swap3A_412, %swap3A_413], %swap3A_416 {strides = array<i32>} : memref<512x64xf32, #tpu.memory_space<vmem>>, vector<1x16xf32>,
      }
      %scan3A_19 = arith.constant 512 : i32
      "tpu.region"() ({
        %run_scoped3A = tpu.sem_alloc : memref<!tpu.dma_semaphore, #tpu.memory_space<semaphore_mem>>
        %dma_start3A_20 = arith.constant 0 : i32
        %dma_start3A_21 = tpu.memref_slice %arg4[%add3A_10, %dma_start3A_20] : memref<819200x64xf32, #tpu.memory_space<hbm>> -> memref<512x64xf32, #tpu.memory_space<hbm>>
        %dma_start3A_22 = arith.constant 0 : i32
        %dma_start3A_23 = tpu.memref_slice %arg4[%add3A_10, %dma_start3A_22] : memref<819200x64xf32, #tpu.memory_space<hbm>> -> memref<512x64xf32, #tpu.memory_space<hbm>>
        tpu.enqueue_dma source(%arg6 : memref<512x64xf32, #tpu.memory_space<vmem>>) target(%dma_start3A_23 : memref<512x64xf32, #tpu.memory_space<hbm>>) target_semaphore(%run_scoped3A : memref<!tpu.dma_semaphore, #tpu.memory_space<semaphore_mem>>)
        %dma_wait3A_24 = arith.constant 0 : i32
        %dma_wait3A_25 = tpu.memref_slice %arg4[%add3A_10, %dma_wait3A_24] : memref<819200x64xf32, #tpu.memory_space<hbm>> -> memref<512x64xf32, #tpu.memory_space<hbm>>
        %dma_wait3A_26 = arith.constant 0 : i32
        %dma_wait3A_27 = tpu.memref_slice %arg4[%add3A_10, %dma_wait3A_26] : memref<819200x64xf32, #tpu.memory_space<hbm>> -> memref<512x64xf32, #tpu.memory_space<hbm>>
        tpu.wait_dma2 semaphore(%run_scoped3A : memref<!tpu.dma_semaphore, #tpu.memory_space<semaphore_mem>>) src(%arg6 : memref<512x64xf32, #tpu.memory_space<vmem>>) dst(%dma_wait3A_27 : memref<512x64xf32, #tpu.memory_space<hbm>>)
        tpu.yield
      }) : () -> ()
    }
    %scan3A_6 = arith.constant 50 : i32
    return
  }
}

</mosaic_0001>

<sc_bundles>
// kernel: kernel.3.cloned.1.call-start
scs
__scs_entry_jumppad:
0x0: {  	(pc) =	sbr.rel $0x88, $3  }
0x1: {  	(tag) =	ssettag $0x0;
	lr =	simm.s32 $0x1  }
0x2: {  	[smem:$0x3F9F] =	sst lr;
	_ =	strace $0xD0000000  }
0x3: {  	_ = 	snop  }
0x4: {  	_ = 	snop  }
0x5: {  	_ = 	snop  }
0x6: {  	_ = 	snop  }
0x7: {  	_ = 	snop  }
__scs_overlays_trampoline_lowered:
0x8: {  	[smem:$0x3FAE] =	sst s0  }
0x9: {  	[smem:$0x3FAF] =	sst s1  }
0xa: {  	[smem:$0x3FB0] =	sst s2  }
0xb: {  	[smem:$0x3FB1] =	sst s3  }
0xc: {  	[smem:$0x3FB2] =	sst s4  }
0xd: {  	[smem:$0x3FB3] =	sst s5  }
0xe: {  	[smem:$0x3FB4] =	sst s6  }
0xf: {  	[smem:$0x3FB5] =	sst s7  }
0x10: {  	[smem:$0x3FB6] =	sst s8  }
0x11: {  	[smem:$0x3FB7] =	sst s9;
	s0 =	simm.s32 @!p0 $0x0  }
0x12: {  	s1 =	sld [smem:$0x3F9D];
	s0 =	simm.s32 @p0 $0x1  }
0x13: {  	[smem:$0x3FB8] =	sst s0;
	s0 =	simm.s32 @!p1 $0x0  }
0x14: {  	s2 =	sld [smem:$0x3F9C];
	s0 =	simm.s32 @p1 $0x1  }
0x15: {  	[smem:$0x3FB9] =	sst s0;
	s0 =	simm.s32 @!p2 $0x0  }
0x16: {  	s3 =	sld [smem:$0x3FDB];
	s0 =	simm.s32 @p2 $0x1  }
0x17: {  	s4 =	simm.s32 $0x1BF5;
	[smem:$0x3FBB] =	sst s0  }
0x18: {  	s0 =	sld [smem:$0x3F9E];
	_ =	swait.ge [sflag:s4], $0x0  }
0x19: {  	s7 =	sld [smem:$0x3F9F]  }
0x1a: {  	s8 =	sadd.s32 $0xFFFFE003, lr  }
0x1b: {  	s9 =	sadd.s32 $0xFFFFFEF7, lr;
	s5 =	simm.s32 $0xFFFFFFFF;
	p2 =	slt.u32 s8, $0xFFFFF086  }
0x1c: {  	p1 =	slt.u32 s9, $0xF7A;
	s5 =	simm.s32 @!p2 $0x0  }
0x1d: {  	s5 =	simm.s32 @p1 $0x1;
	p0 =	seq.s32 s7, s2  }
0x1e: {  	s7 =	smul.u32 @!p0 $0xF7A, s2;
	p2 =	seq.s32 @!p0 s5, $0x0  }
0x1f: {  	s9 =	smul.u32 $0xF7A, s1;
	s8 =	simm.s32 @!p0 $0x1BF5;
	p2 =	por !p2, p0  }
0x20: {  	[sflag:s8] =	ssyncset.s32 @!p0 $0xFFFFF086;
	s6 =	sadd.s32 @!p0 s3, s7;
	s7 =	simm.s32 @!p0 $0x108  }
0x21: {  	s3 =	sadd.s32 s3, s9;
	s6 =	sadd.s32 @!p0 $0x88, s6;
	s7 =	simm.s32 @p2 $0x1082  }
0x22: {  	[simem:s7], [sflag:s8] =	dma.local @!p0 [hbm:s6], $0xF7A  }
0x23: {  	s9 =	sor.u32 $0xD0000000, s2;
	s6 =	simm.s32 $0x108;
	_ =	swait.ge @!p0 [sflag:s8], $0x0  }
0x24: {  	s3 =	sadd.s32 $0x88, s3;
	s6 =	simm.s32 @!p1 $0x1082;
	[sflag:s4] =	ssyncset.s32 $0xFFFFF086  }
0x25: {  	[simem:s6], [sflag:s4] =	dma.local [hbm:s3], $0xF7A  }
0x26: {  	[smem:$0x3F9F] =	sst s1;
	(tag) =	ssettag s2;
	_ =	strace s9  }
0x27: {  	s1 =	sld [smem:$0x3FAF]  }
0x28: {  	s2 =	sld [smem:$0x3FB0]  }
0x29: {  	s4 =	sld [smem:$0x3FB2]  }
0x2a: {  	p0 =	seq.s32 s5, $0x0;
	s5 =	sld [smem:$0x3FB3]  }
0x2b: {  	s6 =	sld [smem:$0x3FB4]  }
0x2c: {  	s7 =	sld [smem:$0x3FB5]  }
0x2d: {  	s3 =	simm.s32 $0x108;
	s8 =	sld [smem:$0x3FB6]  }
0x2e: {  	s3 =	simm.s32 @!p0 $0x1082;
	s9 =	sld [smem:$0x3FB7]  }
0x2f: {  	lr =	sadd.s32 s0, s3;
	s0 =	sld [smem:$0x3FAE]  }
0x30: {  	s3 =	sld [smem:$0x3FB1]  }
0x31: {  	[smem:$0x3FBA] =	sst s10  }
0x32: {  	s10 =	sld [smem:$0x3FB8];
	_ =	sdelay $0x3  }
0x33: {  	p0 =	seq.s32 s10, $0x1;
	s10 =	sld [smem:$0x3FBA];
	_ =	sdelay $0x3  }
0x34: {  	[smem:$0x3FBA] =	sst s10  }
0x35: {  	s10 =	sld [smem:$0x3FB9];
	_ =	sdelay $0x3  }
0x36: {  	p1 =	seq.s32 s10, $0x1;
	s10 =	sld [smem:$0x3FBA];
	_ =	sdelay $0x3  }
0x37: {  	[smem:$0x3FBA] =	sst s10  }
0x38: {  	s10 =	sld [smem:$0x3FBB]  }
0x39: {  	_ = 	snop;
	(pc) =	sbr.ind lr, $3  }
0x3a: {  	_ = 	snop  }
0x3b: {  	_ = 	snop  }
0x3c: {  	p2 =	seq.s32 s10, $0x1;
	s10 =	sld [smem:$0x3FBA]  }
0x3d: {  	_ =	shalt  }
0x3e: {  	_ =	shalt  }
0x3f: {  	_ =	shalt  }
0x40: {  	_ =	shalt  }
0x41: {  	_ =	shalt  }
0x42: {  	_ =	shalt  }
0x43: {  	_ =	shalt  }
0x44: {  	_ =	shalt  }
0x45: {  	_ =	shalt  }
0x46: {  	_ =	shalt  }
0x47: {  	_ =	shalt  }
0x48: {  	_ =	shalt  }
0x49: {  	_ =	shalt  }
0x4a: {  	_ =	shalt  }
0x4b: {  	_ =	shalt  }
0x4c: {  	_ =	shalt  }
0x4d: {  	_ =	shalt  }
0x4e: {  	_ =	shalt  }
0x4f: {  	_ =	shalt  }
0x50: {  	_ =	shalt  }
0x51: {  	_ =	shalt  }
0x52: {  	_ =	shalt  }
0x53: {  	_ =	shalt  }
0x54: {  	_ =	shalt  }
0x55: {  	_ =	shalt  }
0x56: {  	_ =	shalt  }
0x57: {  	_ =	shalt  }
0x58: {  	_ =	shalt  }
0x59: {  	_ =	shalt  }
0x5a: {  	_ =	shalt  }
0x5b: {  	_ =	shalt  }
0x5c: {  	_ =	shalt  }
0x5d: {  	_ =	shalt  }
0x5e: {  	_ =	shalt  }
0x5f: {  	_ =	shalt  }
0x60: {  	_ =	shalt  }
0x61: {  	_ =	shalt  }
0x62: {  	_ =	shalt  }
0x63: {  	_ =	shalt  }
0x64: {  	_ =	shalt  }
0x65: {  	_ =	shalt  }
0x66: {  	_ =	shalt  }
0x67: {  	_ =	shalt  }
0x68: {  	_ =	shalt  }
0x69: {  	_ =	shalt  }
0x6a: {  	_ =	shalt  }
0x6b: {  	_ =	shalt  }
0x6c: {  	_ =	shalt  }
0x6d: {  	_ =	shalt  }
0x6e: {  	_ =	shalt  }
0x6f: {  	_ =	shalt  }
0x70: {  	_ =	shalt  }
0x71: {  	_ =	shalt  }
0x72: {  	_ =	shalt  }
0x73: {  	_ =	shalt  }
0x74: {  	_ =	shalt  }
0x75: {  	_ =	shalt  }
0x76: {  	_ =	shalt  }
0x77: {  	_ =	shalt  }
0x78: {  	_ =	shalt  }
0x79: {  	_ =	shalt  }
0x7a: {  	_ =	shalt  }
0x7b: {  	_ =	shalt  }
0x7c: {  	_ =	shalt  }
0x7d: {  	_ =	shalt  }
0x7e: {  	_ =	shalt  }
0x7f: {  	_ =	shalt  }
0x80: {  	_ =	shalt  }
0x81: {  	_ =	shalt  }
0x82: {  	_ =	shalt  }
0x83: {  	_ =	shalt  }
0x84: {  	_ =	shalt  }
0x85: {  	_ =	shalt  }
0x86: {  	_ =	shalt  }
0x87: {  	_ =	shalt  }
.Lfunc_end0:
.L_simem_size_0:
called_computation.1_lowered:
.L_overlay_start_0:
0x88: {  	s2 =	sld [smem:$0x3FD9]  }
0x89: {  	s3 =	sld [smem:$0x3FFE];
	_ =	sdelay $0x1  }
0x8a: {  	s1 =	srdreg.scid  }
0x8b: {  	s0 =	sand.u32 $0x1, s1  }
0x8c: {  	s17 =	sshll.u32 s0, $0xA;
	s2 =	sadd.s32 s3, s2  }
0x8d: {  	s2 =	sadd.s32 s2, s17  }
0x8e: {  	[smem:$0x3FC6] =	sst s2  }
0x8f: {  	_ = 	snop  }
0x90: {  	s2 =	sld [smem:$0x3FD0];
	(tm) =	ssettm $0x1  }
0x91: {  	s18 =	sld [smem:$0x3FFB];
	_ =	sdelay $0x3  }
0x92: {  	_ =	strace s18  }
0x93: {  	s3 =	sld [smem:$0x3FFC];
	_ =	sdelay $0x3  }
0x94: {  	_ =	strace s3  }
0x95: {  	s3 =	sld [smem:$0x3FFD];
	_ =	sdelay $0x3  }
0x96: {  	_ =	strace s3  }
0x97: {  	_ =	strace $0x8FFFFFFF  }
0x98: {  	s19 =	sld [smem:$0x3FDB];
	_ =	sdelay $0x1  }
0x99: {  	s4 =	simm.s32 $_scs_section_size  }
0x9a: {  	s5 =	simm.s32 $_size__tile_overlayer_lowered;
	s6 =	simm.s32 $_tile_overlayer_lowered  }
0x9b: {  	s22 =	simm.s32 $0x1BFF;
	s21 =	sshll.u32 s6, $0x1;
	s3 =	sadd.s32 s4, s19  }
0x9c: {  	s7 =	simm.s32 $0x0;
	s20 =	sshll.u32 s5, $0x1;
	s5 =	sadd.s32 s21, s3  }
0x9d: {  	[timem:s7], [sflag:s22] =	dma.local [hbm:s5], s20  }
0x9e: {  	_ =	swait.ge [sflag:s22], s20  }
0x9f: {  	s4 =	ssub.s32 $0x0, s20;
	[sflag:s22] =	ssyncset.done $0x0  }
0xa0: {  	[sflag:s22] =	ssyncadd.s32 s4;
	_ =	sdelay $0x1  }
0xa1: {  	s23 =	simm.s32 $0x1B8B  }
0xa2: {  	_ =	swait.ge [sflag:s23], $0x1  }
0xa3: {  	[sflag:s23] =	ssyncset.done $0x0  }
0xa4: {  	s25 =	simm.s32 $0x1B8E;
	s24 =	sld [smem:$0x3FFE];
	[sflag:s23] =	ssyncadd.s32 $0xFFFFFFFF  }
0xa5: {  	s26 =	simm.s32 $execute0_lowered;
	[smem:$0x3FD2] =	sst s25  }
0xa6: {  	s5 =	sshll.u32 s26, $0x1;
	_ =	strace $0x80000046;
	[dreg:$0x1] =	wrdreg $0xFFFFFFFF  }
0xa7: {  	s28 =	simm.s32 $_size_execute0_lowered;
	s3 =	sadd.s32 s3, s5;
	[dreg:$0x0] =	wrdreg $0x0  }
0xa8: {  	s5 =	sshll.u32 s28, $0x1;
	[dreg:$0x2] =	wrdreg s3  }
0xa9: {  	[dreg:$0x3] =	wrdreg s5  }
0xaa: {  	[dreg:$0x4] =	wrdreg $0xC0  }
0xab: {  	_ =	task [dreg:s7], $0x5FFFF  }
0xac: {  	[dreg:$0x1] =	wrdreg $0xFFFFFFFF  }
0xad: {  	[dreg:$0x0] =	wrdreg $0x60  }
0xae: {  	[dreg:$0x2] =	wrdreg s24  }
0xaf: {  	[dreg:$0x3] =	wrdreg s2  }
0xb0: {  	[dreg:$0x4] =	wrdreg $0x9  }
0xb1: {  	_ =	task.clear_ibuf [dreg:s7], $0x5FFFF;
	_ =	strace $0x90000046  }
0xb2: {  	s29 =	simm.s32 $0x9;
	_ =	strace $0x80000048  }
0xb3: {  	_ =	swait.ge [sflag:s29], $0x1  }
0xb4: {  	[sflag:s29] =	ssyncadd.s32 $0xFFFFFFFF  }
0xb5: {  	_ =	strace $0x90000048  }
0xb6: {  	_ =	sfence  }
0xb7: {  	s30 =	sld [smem:$0x0];
	_ =	sdelay $0x2  }
0xb8: {  	s31 =	sshll.u32 s1, $0xD;
	s1 =	sshrl.u32 s1, $0x2  }
0xb9: {  	s3 =	sand.u32 $0x4000, s31;
	s1 =	sadd.s32 s1, s30  }
0xba: {  	s0 =	sor.u32 s3, s0;
	s1 =	sshll.u32 s1, $0x11  }
0xbb: {  	s0 =	sor.u32 s1, s0  }
0xbc: {  	s0 =	sadd.s32 $0x8F2B, s0  }
0xbd: {  	[sflag:s0] =	ssyncadd.remote.s32 $0x1  }
0xbe: {  	_ =	sfence.sel $0xFFFF  }
0xbf: {  	[dreg:$0x0] =	wrdreg $0xFFFFFFFF;
	(pc) =	sbr.abs _section_cstart, $3  }
0xc0: {  	[dreg:$0x1] =	wrdreg $0xFFFFFFFF  }
0xc1: {  	_ =	task.clear_ibuf [dreg:s7], $0x2FFFF;
	_ =	strace $0x9FFFFFFF  }
0xc2: {  	(tm) =	ssettm $0x7FFFFFFF  }
0xc3: {  	_ =	shalt  }
tec
execute0_lowered:
.L_overlay_start_1:
0x0: {  	(tag) =	ssettag $0x1  }
0x1: {  	s5 =	rddreg [dreg:$0x0]  }
0x2: {  	s1 =	rddreg [dreg:$0x1]  }
0x3: {  	s0 =	rddreg [dreg:$0x2];
	s2 =	simm.s32 $0x0  }
0x4: {  	s3 =	srdreg.scid;
	s10 =	simm.s32 $0x1;
	s11 =	simm.s32 $0x0  }
0x5: {  	[smem:$0x7FF] =	sst s2;
	s6 =	sand.u32 $0x1, s3;
	s3 =	stileid.u32  }
0x6: {  	s4 =	sadd.s32 $0xF42E00, s5;
	s5 =	sadd.s32 $0xA00, s5;
	s7 =	ssub.s32 $0x2, s6  }
0x7: {  	_ =	strace $0x80000047;
	s9 =	sshll.u32 s3, $0x1;
	s8 =	sshrl.u32 s7, $0x1  }
0x8: {  	s6 =	sor.u32 s6, s9;
	s9 =	simm.s32 $0x200;
	s7 =	ssub.s32 s7, s8  }
0x9: {  	s6 =	smul.u32 $0x6400, s6;
	s8 =	simm.s32 $0x2;
	s7 =	smax.u32 s7, $0x1  }
.LBB2_1:
0xa: {  	s12 =	simm.s32 $0x0  }
.LBB2_2:
0xb: {  	s13 =	sshll.u32 s12, $0x9  }
0xc: {  	s13 =	sadd.s32 s6, s13  }
0xd: {  	s14 =	sshrl.u32 s13, $0x3  }
0xe: {  	s14 =	sadd.s32 s5, s14  }
0xf: {  	[tilespmem:s2], [sflag:$0x2] =	stream.linear.gather [hbm4b:s14+s2], $0x200, $0x38;
	[tilespmem:$0x8200] =	vst v63  }
0x10: {  	_ =	swait.ge [sflag:s8], $0x200  }
0x11: {  	[sflag:s8] =	ssyncset.done $0x0  }
0x12: {  	[sflag:s8] =	ssyncadd.s32 $0xFFFFFE00  }
0x13: {  	[tilespmem:s9], [sflag:$0x1] =	stream.indirect.gather [hbm4b:s4+s9], $0x40, s2, s9, $0xb8;
	[tilespmem:$0x8200] =	vst v63  }
0x14: {  	_ =	swait.ge [sflag:s10], $0x8000  }
0x15: {  	[sflag:s10] =	ssyncset.done $0x0  }
0x16: {  	s14 =	simm.s32 $0x300;
	[sflag:s10] =	ssyncadd.s32 $0xFFFF8000  }
0x17: {  	v0 =	vld [tilespmem:s14+$0xFFFFFF00]  }
0x18: {  	v1 =	vld [tilespmem:s14+$0xFFFFFF10]  }
0x19: {  	v2 =	vld [tilespmem:s14+$0xFFFFFF20]  }
0x1a: {  	v3 =	vld [tilespmem:s14+$0xFFFFFF30]  }
0x1b: {  	v4 =	vld [tilespmem:s14+$0xFFFFFF40]  }
0x1c: {  	v5 =	vld [tilespmem:s14+$0xFFFFFF50];
	v0 =	vmul.f32 $8.000000000e+00, v0  }
0x1d: {  	v6 =	vld [tilespmem:s14+$0xFFFFFF60];
	v1 =	vmul.f32 $8.000000000e+00, v1  }
0x1e: {  	[tilespmem:s14+$0xFFFFFF00] =	vst v0;
	v0 =	vmul.f32 $8.000000000e+00, v2;
	v2 =	vld [tilespmem:s14+$0xFFFFFF70]  }
0x1f: {  	[tilespmem:s14+$0xFFFFFF10] =	vst v1;
	v1 =	vmul.f32 $8.000000000e+00, v3;
	v3 =	vld [tilespmem:s14+$0xFFFFFF80]  }
0x20: {  	[tilespmem:s14+$0xFFFFFF20] =	vst v0;
	v0 =	vmul.f32 $8.000000000e+00, v4;
	v4 =	vld [tilespmem:s14+$0xFFFFFF90]  }
0x21: {  	[tilespmem:s14+$0xFFFFFF30] =	vst v1;
	v1 =	vmul.f32 $8.000000000e+00, v5;
	v5 =	vld [tilespmem:s14+$0xFFFFFFA0]  }
0x22: {  	[tilespmem:s14+$0xFFFFFF40] =	vst v0;
	v0 =	vmul.f32 $8.000000000e+00, v6;
	v6 =	vld [tilespmem:s14+$0xFFFFFFB0]  }
0x23: {  	[tilespmem:s14+$0xFFFFFF50] =	vst v1;
	v1 =	vmul.f32 $8.000000000e+00, v2;
	v2 =	vld [tilespmem:s14+$0xFFFFFFC0]  }
0x24: {  	[tilespmem:s14+$0xFFFFFF60] =	vst v0;
	v0 =	vmul.f32 $8.000000000e+00, v3;
	v3 =	vld [tilespmem:s14+$0xFFFFFFD0]  }
0x25: {  	[tilespmem:s14+$0xFFFFFF70] =	vst v1;
	v1 =	vmul.f32 $8.000000000e+00, v4;
	v4 =	vld [tilespmem:s14+$0xFFFFFFE0]  }
0x26: {  	[tilespmem:s14+$0xFFFFFF80] =	vst v0;
	v0 =	vmul.f32 $8.000000000e+00, v5;
	v5 =	vld [tilespmem:s14+$0x0]  }
0x27: {  	[tilespmem:s14+$0xFFFFFF90] =	vst v1;
	v1 =	vmul.f32 $8.000000000e+00, v6;
	v6 =	vld [tilespmem:s14+$0x10]  }
0x28: {  	[tilespmem:s14+$0xFFFFFFA0] =	vst v0;
	v0 =	vmul.f32 $8.000000000e+00, v2;
	v2 =	vld [tilespmem:s14+$0x20]  }
0x29: {  	[tilespmem:s14+$0xFFFFFFB0] =	vst v1;
	v1 =	vmul.f32 $8.000000000e+00, v3;
	v3 =	vld [tilespmem:s14+$0x30]  }
0x2a: {  	[tilespmem:s14+$0xFFFFFFC0] =	vst v0;
	v0 =	vmul.f32 $8.000000000e+00, v4;
	v4 =	vld [tilespmem:s14+$0x40]  }
0x2b: {  	[tilespmem:s14+$0xFFFFFFD0] =	vst v1;
	v1 =	vmul.f32 $8.000000000e+00, v5;
	v5 =	vld [tilespmem:s14+$0x50]  }
0x2c: {  	[tilespmem:s14+$0xFFFFFFE0] =	vst v0;
	v0 =	vmul.f32 $8.000000000e+00, v6;
	v6 =	vld [tilespmem:s14+$0x60]  }
0x2d: {  	[tilespmem:s14+$0x0] =	vst v1;
	v1 =	vmul.f32 $8.000000000e+00, v2;
	v2 =	vld [tilespmem:s14+$0x70]  }
0x2e: {  	[tilespmem:s14+$0x10] =	vst v0;
	v0 =	vmul.f32 $8.000000000e+00, v3;
	v3 =	vld [tilespmem:s14+$0x80]  }
0x2f: {  	[tilespmem:s14+$0x20] =	vst v1;
	v1 =	vmul.f32 $8.000000000e+00, v4;
	v4 =	vld [tilespmem:s14+$0x90]  }
0x30: {  	[tilespmem:s14+$0x30] =	vst v0;
	v0 =	vmul.f32 $8.000000000e+00, v5;
	v5 =	vld [tilespmem:s14+$0xA0]  }
0x31: {  	[tilespmem:s14+$0x40] =	vst v1;
	v1 =	vmul.f32 $8.000000000e+00, v6;
	v6 =	vld [tilespmem:s14+$0xB0]  }
0x32: {  	[tilespmem:s14+$0x50] =	vst v0;
	v2 =	vmul.f32 $8.000000000e+00, v2;
	v0 =	vld [tilespmem:s14+$0xC0]  }
0x33: {  	[tilespmem:s14+$0x60] =	vst v1;
	v3 =	vmul.f32 $8.000000000e+00, v3;
	v1 =	vld [tilespmem:s14+$0xD0]  }
0x34: {  	[tilespmem:s14+$0x70] =	vst v2;
	v7 =	vmul.f32 $8.000000000e+00, v4;
	v2 =	vld [tilespmem:s14+$0xE0]  }
0x35: {  	[tilespmem:s14+$0x80] =	vst v3;
	v3 =	vld [tilespmem:s14+$0xF0];
	v5 =	vmul.f32 $8.000000000e+00, v5  }
0x36: {  	s15 =	simm.s32 $0x0;
	s16 =	simm.s32 $0x500;
	v4 =	vld [tilespmem:s14+$0xFFFFFFF0];
	[tilespmem:s14+$0x90] =	vst v7;
	v6 =	vmul.f32 $8.000000000e+00, v6  }
.LBB2_3:
0x37: {  	v7 =	vld [tilespmem:s16+$0xFFFFFF00];
	[tilespmem:s14+$0xA0] =	vst v5;
	v0 =	vmul.f32 $8.000000000e+00, v0  }
0x38: {  	v5 =	vld [tilespmem:s16+$0xFFFFFF10];
	[tilespmem:s14+$0xB0] =	vst v6;
	v1 =	vmul.f32 $8.000000000e+00, v1  }
0x39: {  	v6 =	vld [tilespmem:s16+$0xFFFFFF20];
	[tilespmem:s14+$0xC0] =	vst v0;
	v0 =	vmul.f32 $8.000000000e+00, v2  }
0x3a: {  	v2 =	vld [tilespmem:s16+$0xFFFFFF30];
	[tilespmem:s14+$0xD0] =	vst v1;
	v1 =	vmul.f32 $8.000000000e+00, v3  }
0x3b: {  	v3 =	vld [tilespmem:s16+$0xFFFFFF40];
	v4 =	vmul.f32 $8.000000000e+00, v4;
	[tilespmem:s14+$0xE0] =	vst v0  }
0x3c: {  	v0 =	vmul.f32 $8.000000000e+00, v7;
	v7 =	vld [tilespmem:s16+$0xFFFFFF50];
	[tilespmem:s14+$0xF0] =	vst v1  }
0x3d: {  	v1 =	vmul.f32 $8.000000000e+00, v5;
	v5 =	vld [tilespmem:s16+$0xFFFFFF60];
	[tilespmem:s14+$0xFFFFFFF0] =	vst v4;
	s14 =	smov.u32 s16  }
0x3e: {  	[tilespmem:s16+$0xFFFFFF00] =	vst v0;
	v0 =	vmul.f32 $8.000000000e+00, v6;
	v4 =	vld [tilespmem:s16+$0xFFFFFF70]  }
0x3f: {  	[tilespmem:s16+$0xFFFFFF10] =	vst v1;
	v1 =	vmul.f32 $8.000000000e+00, v2;
	v2 =	vld [tilespmem:s16+$0xFFFFFF80]  }
0x40: {  	[tilespmem:s16+$0xFFFFFF20] =	vst v0;
	v0 =	vmul.f32 $8.000000000e+00, v3;
	v3 =	vld [tilespmem:s16+$0xFFFFFF90]  }
0x41: {  	[tilespmem:s16+$0xFFFFFF30] =	vst v1;
	v1 =	vmul.f32 $8.000000000e+00, v7;
	v6 =	vld [tilespmem:s16+$0xFFFFFFA0]  }
0x42: {  	[tilespmem:s16+$0xFFFFFF40] =	vst v0;
	v0 =	vmul.f32 $8.000000000e+00, v5;
	v5 =	vld [tilespmem:s16+$0xFFFFFFB0]  }
0x43: {  	[tilespmem:s16+$0xFFFFFF50] =	vst v1;
	v1 =	vmul.f32 $8.000000000e+00, v4;
	v4 =	vld [tilespmem:s16+$0xFFFFFFC0]  }
0x44: {  	[tilespmem:s16+$0xFFFFFF60] =	vst v0;
	v0 =	vmul.f32 $8.000000000e+00, v2;
	v2 =	vld [tilespmem:s16+$0xFFFFFFD0]  }
0x45: {  	[tilespmem:s16+$0xFFFFFF70] =	vst v1;
	v1 =	vmul.f32 $8.000000000e+00, v3;
	v3 =	vld [tilespmem:s16+$0xFFFFFFE0]  }
0x46: {  	[tilespmem:s16+$0xFFFFFF80] =	vst v0;
	v0 =	vmul.f32 $8.000000000e+00, v6;
	v6 =	vld [tilespmem:s16+$0x0]  }
0x47: {  	[tilespmem:s16+$0xFFFFFF90] =	vst v1;
	v1 =	vmul.f32 $8.000000000e+00, v5;
	v5 =	vld [tilespmem:s16+$0x10]  }
0x48: {  	[tilespmem:s16+$0xFFFFFFA0] =	vst v0;
	v0 =	vmul.f32 $8.000000000e+00, v4;
	v4 =	vld [tilespmem:s16+$0x20]  }
0x49: {  	[tilespmem:s16+$0xFFFFFFB0] =	vst v1;
	v1 =	vmul.f32 $8.000000000e+00, v2;
	v2 =	vld [tilespmem:s16+$0x30]  }
0x4a: {  	[tilespmem:s16+$0xFFFFFFC0] =	vst v0;
	v0 =	vmul.f32 $8.000000000e+00, v3;
	v3 =	vld [tilespmem:s16+$0x40]  }
0x4b: {  	[tilespmem:s16+$0xFFFFFFD0] =	vst v1;
	v1 =	vmul.f32 $8.000000000e+00, v6;
	v6 =	vld [tilespmem:s16+$0x50]  }
0x4c: {  	[tilespmem:s16+$0xFFFFFFE0] =	vst v0;
	v0 =	vmul.f32 $8.000000000e+00, v5;
	v5 =	vld [tilespmem:s16+$0x60]  }
0x4d: {  	[tilespmem:s16+$0x0] =	vst v1;
	v1 =	vmul.f32 $8.000000000e+00, v4;
	v4 =	vld [tilespmem:s16+$0x70]  }
0x4e: {  	[tilespmem:s16+$0x10] =	vst v0;
	v0 =	vmul.f32 $8.000000000e+00, v2;
	v2 =	vld [tilespmem:s16+$0x80]  }
0x4f: {  	[tilespmem:s16+$0x20] =	vst v1;
	v1 =	vmul.f32 $8.000000000e+00, v3;
	v3 =	vld [tilespmem:s16+$0x90]  }
0x50: {  	s15 =	sadd.s32 $0x8, s15;
	[tilespmem:s16+$0x30] =	vst v0;
	v0 =	vmul.f32 $8.000000000e+00, v6;
	v6 =	vld [tilespmem:s16+$0xA0]  }
0x51: {  	p0 =	slt.u32 s15, $0x1F8;
	[tilespmem:s16+$0x40] =	vst v1;
	v1 =	vmul.f32 $8.000000000e+00, v5;
	v7 =	vld [tilespmem:s16+$0xB0]  }
.Ltmp0:
0x52: {  	[tilespmem:s16+$0x50] =	vst v0;
	v4 =	vmul.f32 $8.000000000e+00, v4;
	v0 =	vld [tilespmem:s16+$0xC0];
	(pc) =	sbr.rel @p0 .LBB2_3-.Ltmp0, $4  }
0x53: {  	[tilespmem:s16+$0x60] =	vst v1;
	v5 =	vmul.f32 $8.000000000e+00, v2;
	v1 =	vld [tilespmem:s16+$0xD0]  }
0x54: {  	[tilespmem:s16+$0x70] =	vst v4;
	v8 =	vmul.f32 $8.000000000e+00, v3;
	v2 =	vld [tilespmem:s16+$0xE0]  }
0x55: {  	[tilespmem:s16+$0x80] =	vst v5;
	v5 =	vmul.f32 $8.000000000e+00, v6;
	v3 =	vld [tilespmem:s16+$0xF0]  }
0x56: {  	s16 =	sadd.s32 $0x200, s16;
	v4 =	vld [tilespmem:s14+$0xFFFFFFF0];
	[tilespmem:s14+$0x90] =	vst v8;
	v6 =	vmul.f32 $8.000000000e+00, v7  }
0x57: {  	[tilespmem:s14+$0xA0] =	vst v5;
	v0 =	vmul.f32 $8.000000000e+00, v0  }
0x58: {  	[tilespmem:s14+$0xB0] =	vst v6;
	v1 =	vmul.f32 $8.000000000e+00, v1  }
0x59: {  	[tilespmem:s14+$0xC0] =	vst v0;
	v61 =	vmul.f32 $8.000000000e+00, v2  }
0x5a: {  	[tilespmem:s14+$0xD0] =	vst v1;
	v62 =	vmul.f32 $8.000000000e+00, v3  }
0x5b: {  	s12 =	sadd.s32 $0x1, s12;
	v63 =	vmul.f32 $8.000000000e+00, v4;
	[tilespmem:s14+$0xE0] =	vst v61  }
0x5c: {  	s13 =	sshll.u32 s13, $0x3;
	p0 =	sne.s32 s12, $0x32;
	[tilespmem:s14+$0xF0] =	vst v62  }
.Ltmp1:
0x5d: {  	s13 =	sadd.s32 s1, s13;
	[tilespmem:s14+$0xFFFFFFF0] =	vst v63;
	(pc) =	sbr.rel @p0 .LBB2_2-.Ltmp1, $4  }
0x5e: {  	[hbm4b:s13+s2] =	stream.linear.scatter [tilespmem:s9], [sflag:$0x2], $0x8000, $0x38;
	[tilespmem:$0x8200] =	vst v63  }
0x5f: {  	_ =	swait.ge [sflag:s8], $0x8000  }
0x60: {  	[sflag:s8] =	ssyncset.done $0x0  }
0x61: {  	[sflag:s8] =	ssyncadd.s32 $0xFFFF8000  }
0x62: {  	s11 =	sadd.s32 $0x1, s11  }
0x63: {  	p0 =	sne.s32 s11, s7  }
.Ltmp2:
0x64: {  	_ = 	snop;
	(pc) =	sbr.rel @p0 .LBB2_1-.Ltmp2, $1  }
0x65: {  	_ =	sdelay $0x3  }
0x66: {  	_ =	sfence.sel $0x180000  }
0x67: {  	[bflag:$0x0] =	sbarrier.arrive $0xFFFF  }
0x68: {  	p0 =	sne.s32 s3, $0x0;
	_ =	strace $0x90000047  }
0x69: {  	s0 =	sadd.s32 @!p0 $0x100000, s0;
	[bflag:$0x2] =	sbarrier.arrive $0xFFFF  }
0x6a: {  	[sflag:s0] =	ssyncadd.tile.s32 @!p0 $0x1;
	_ =	shalt  }
.Lfunc_end2:
_tile_overlayer_lowered:
.L_overlay_start_2:
0x6b: {  	(tag) =	ssettag $0x2  }
0x6c: {  	s0 =	rddreg [dreg:$0x0];
	s2 =	stileid.u32  }
0x6d: {  	s1 =	rddreg [dreg:$0x1];
	p0 =	sne.s32 s2, $0x0  }
0x6e: {  	s3 =	rddreg [dreg:$0x2];
	[bflag:$0x3] =	sbarrier.arrive $0xFFFF;
	s2 =	simm.s32 @!p0 $0x1C02  }
0x6f: {  	[timem:s3], [sflag:s2] =	dma.local @!p0 [hbm:s0], s1  }
0x70: {  	s0 =	simm.s32 @!p0 $0x2  }
0x71: {  	_ =	swait.ge @!p0 [sflag:s0], s1  }
0x72: {  	s1 =	ssub.s32 @!p0 $0x0, s1;
	[sflag:s0] =	ssyncset.done @!p0 $0x0  }
0x73: {  	[sflag:s0] =	ssyncadd.s32 @!p0 s1  }
0x74: {  	[bflag:$0x3] =	sbarrier.arrive $0xFFFF  }
0x75: {  	_ =	shalt  }

// kernel: sparse-core-data-format-call.cloned.1.call-start
scs
called_computation_lowered:
.L_overlay_start_0:
0x0: {  	s2 =	sld [smem:$0x3FD9]  }
0x1: {  	s3 =	sld [smem:$0x3FFE];
	_ =	sdelay $0x1  }
0x2: {  	s1 =	srdreg.scid  }
0x3: {  	s0 =	sand.u32 $0x1, s1  }
0x4: {  	s18 =	sshll.u32 s0, $0xA;
	s2 =	sadd.s32 s3, s2  }
0x5: {  	s2 =	sadd.s32 s2, s18  }
0x6: {  	[smem:$0x3FC6] =	sst s2  }
0x7: {  	_ = 	snop  }
0x8: {  	s2 =	sld [smem:$0x3FD0];
	(tm) =	ssettm $0x1  }
0x9: {  	s19 =	sld [smem:$0x3FFB];
	_ =	sdelay $0x3  }
0xa: {  	_ =	strace s19  }
0xb: {  	s3 =	sld [smem:$0x3FFC];
	_ =	sdelay $0x3  }
0xc: {  	_ =	strace s3  }
0xd: {  	s3 =	sld [smem:$0x3FFD];
	_ =	sdelay $0x3  }
0xe: {  	_ =	strace s3  }
0xf: {  	_ =	strace $0x8FFFFFFF  }
0x10: {  	s20 =	sld [smem:$0x3FDB];
	_ =	sdelay $0x1  }
0x11: {  	s4 =	simm.s32 $_scs_section_size  }
0x12: {  	s5 =	simm.s32 $_size__tile_overlayer_lowered;
	s6 =	simm.s32 $_tile_overlayer_lowered  }
0x13: {  	s23 =	simm.s32 $0x1BFF;
	s22 =	sshll.u32 s6, $0x1;
	s3 =	sadd.s32 s4, s20  }
0x14: {  	s7 =	simm.s32 $0x0;
	s21 =	sshll.u32 s5, $0x1;
	s5 =	sadd.s32 s22, s3  }
0x15: {  	[timem:s7], [sflag:s23] =	dma.local [hbm:s5], s21  }
0x16: {  	_ =	swait.ge [sflag:s23], s21  }
0x17: {  	s4 =	ssub.s32 $0x0, s21;
	[sflag:s23] =	ssyncset.done $0x0  }
0x18: {  	[sflag:s23] =	ssyncadd.s32 s4;
	_ =	sdelay $0x1  }
0x19: {  	s24 =	simm.s32 $0x1B8B  }
0x1a: {  	_ =	swait.ge [sflag:s24], $0x1  }
0x1b: {  	[sflag:s24] =	ssyncset.done $0x0  }
0x1c: {  	s26 =	simm.s32 $0x1B8E;
	s25 =	sld [smem:$0x3FFE];
	[sflag:s24] =	ssyncadd.s32 $0xFFFFFFFF  }
0x1d: {  	s27 =	simm.s32 $execute0_lowered;
	[smem:$0x3FD2] =	sst s26  }
0x1e: {  	s5 =	sshll.u32 s27, $0x1;
	_ =	strace $0x80000049;
	[dreg:$0x1] =	wrdreg $0xFFFFFFFF  }
0x1f: {  	s28 =	simm.s32 $_size_execute0_lowered;
	s3 =	sadd.s32 s3, s5;
	[dreg:$0x0] =	wrdreg $0x0  }
0x20: {  	s5 =	sshll.u32 s28, $0x1;
	[dreg:$0x2] =	wrdreg s3  }
0x21: {  	[dreg:$0x3] =	wrdreg s5  }
0x22: {  	[dreg:$0x4] =	wrdreg $0xC0  }
0x23: {  	_ =	task [dreg:s7], $0x5FFFF  }
0x24: {  	[dreg:$0x1] =	wrdreg $0xFFFFFFFF  }
0x25: {  	[dreg:$0x0] =	wrdreg $0x60  }
0x26: {  	[dreg:$0x2] =	wrdreg s25  }
0x27: {  	[dreg:$0x3] =	wrdreg s2  }
0x28: {  	[dreg:$0x4] =	wrdreg $0x9  }
0x29: {  	_ =	task.clear_ibuf [dreg:s7], $0x5FFFF;
	_ =	strace $0x90000049  }
0x2a: {  	s29 =	simm.s32 $0x9;
	_ =	strace $0x8000004B  }
0x2b: {  	_ =	swait.ge [sflag:s29], $0x1  }
0x2c: {  	[sflag:s29] =	ssyncadd.s32 $0xFFFFFFFF  }
0x2d: {  	_ =	strace $0x9000004B  }
0x2e: {  	_ =	sfence  }
0x2f: {  	s30 =	sld [smem:$0x0];
	_ =	sdelay $0x2  }
0x30: {  	s31 =	sshll.u32 s1, $0xD;
	s1 =	sshrl.u32 s1, $0x2  }
0x31: {  	s3 =	sand.u32 $0x4000, s31;
	s1 =	sadd.s32 s1, s30  }
0x32: {  	s0 =	sor.u32 s3, s0;
	s1 =	sshll.u32 s1, $0x11  }
0x33: {  	s0 =	sor.u32 s1, s0  }
0x34: {  	s0 =	sadd.s32 $0x8F2B, s0  }
0x35: {  	[sflag:s0] =	ssyncadd.remote.s32 $0x1  }
0x36: {  	_ =	sfence.sel $0xFFFF  }
0x37: {  	[dreg:$0x0] =	wrdreg $0xFFFFFFFF;
	(pc) =	sbr.abs _section_cstart, $3  }
0x38: {  	[dreg:$0x1] =	wrdreg $0xFFFFFFFF  }
0x39: {  	_ =	task.clear_ibuf [dreg:s7], $0x2FFFF;
	_ =	strace $0x9FFFFFFF  }
0x3a: {  	(tm) =	ssettm $0x7FFFFFFF  }
0x3b: {  	_ =	shalt  }
tec
execute0_lowered:
.L_overlay_start_1:
0x0: {  	(tag) =	ssettag $0x1  }
0x1: {  	s0 =	srdreg.scid  }
0x2: {  	s1 =	sshll.u32 s0, $0x4  }
0x3: {  	s0 =	stileid.u32;
	s1 =	sand.u32 $0x10, s1  }
0x4: {  	s1 =	sor.u32 s0, s1  }
0x5: {  	s6 =	rddreg [dreg:$0x0];
	s4 =	simm.s32 $0x1;
	s2 =	sshll.u32 s1, $0x7  }
0x6: {  	s7 =	simm.s32 $0x2;
	s12 =	simm.s32 $0x0;
	s1 =	ssub.s32 $0x1000, s2  }
0x7: {  	s8 =	simm.s32 $0x8000;
	s13 =	simm.s32 $0x0;
	s3 =	sand.u32 $0xF80, s1  }
0x8: {  	s9 =	simm.s32 $0x0;
	s5 =	sshrl.u32 s1, $0xC;
	p0 =	sne.s32 s3, $0x0  }
.Ltmp0:
0x9: {  	s1 =	rddreg [dreg:$0x2];
	s4 =	simm.s32 @!p0 $0x0;
	(pc) =	sbr.rel .LBB1_1-.Ltmp0, $4  }
0xa: {  	s11 =	simm.s32 $0x0;
	s3 =	rddreg [dreg:$0x1];
	s5 =	sadd.s32 s4, s5  }
0xb: {  	_ =	strace $0x8000004A;
	s4 =	simm.s32 $0x1;
	s5 =	smul.u32 $0xC8, s5  }
0xc: {  	s6 =	sadd.s32 $0xA00, s6;
	s10 =	smov.u32 s2;
	[sflag:s4] =	ssyncpa.u1 $0x0  }
0xd: {  	p0 =	por $0x0, $0x0;
	[sflag:s7] =	ssyncpa.u1 $0x0;
	s7 =	sor.u32 $0x1, s5  }
.LBB1_4:
0xe: {  	s16 =	sshll.u32 s13, $0x3;
	s17 =	sand.u32 $0x78, s13  }
0xf: {  	s30 =	sand.u32 $0x7E00, s13;
	s12 =	sshll.u32 s12, $0xF;
	s16 =	sand.u32 $0xC00, s16  }
0x10: {  	[tilespmem:s15+$0x810 ss:$0x81] =	vst.msk $0xffff, v2;
	s31 =	sand.u32 $0x7, s13;
	s16 =	sor.u32 s17, s16;
	s17 =	sadd.s32 s3, s30  }
0x11: {  	[tilespmem:s15+$0x1020 ss:$0x81] =	vst.msk $0xffff, v0;
	s13 =	sshll.u32 s31, $0x12;
	s12 =	sadd.s32 s12, s17;
	s16 =	sshrl.u32 s16, $0x3  }
0x12: {  	[tilespmem:s15+$0x0 ss:$0x81] =	vst.msk $0xffff, v1;
	s13 =	sor.u32 $0x400, s13;
	s12 =	sadd.s32 s16, s12  }
0x13: {  	[hbm4b:s12+s13] =	stream.strided.scatter [tilespmem:s14], [sflag:$0x2], $0x2000, s8, s13, $0x20;
	[tilespmem:$0x8080] =	vst v63  }
.LBB1_5:
0x14: {  	s14 =	sadd.s32 $0x1, s9  }
0x15: {  	s12 =	sadd.s32 $0x1000, s10;
	s16 =	smov.u32 s10;
	p2 =	sgt.s32 s14, $0xC7  }
0x16: {  	s16 =	smov.u32 @p2 s12  }
0x17: {  	s14 =	simm.s32 @p2 $0x0;
	p2 =	sgt.s32 s16, $0xFFF  }
0x18: {  	s16 =	smov.u32 @p2 s2;
	p2 =	sne.s32 s11, s7  }
.Ltmp1:
0x19: {  	p1 =	slt.u32 s11, $0x2;
	(pc) =	sbr.rel @!p2 .LBB1_6-.Ltmp1, $4  }
0x1a: {  	s15 =	simm.s32 @!p1 $0x2  }
0x1b: {  	s13 =	smov.u32 s10;
	p0 =	por !p0, !p0;
	_ =	swait.ge @!p1 [sflag:s15], $0x2000  }
0x1c: {  	s12 =	smov.u32 s9;
	[sflag:s15] =	ssyncset.done @!p1 $0x0;
	s9 =	smov.u32 s14  }
0x1d: {  	s11 =	sadd.s32 $0x1, s11;
	[sflag:s15] =	ssyncadd.s32 @!p1 $0xFFFFE000;
	s10 =	smov.u32 s16  }
.LBB1_1:
0x1e: {  	p1 =	sge.u32 s11, s5  }
0x1f: {  	s14 =	sand.u32 @!p1 $0x1FFFFFF, s9  }
0x20: {  	s15 =	smulhi.u32 @!p1 $0x147AE15, s14;
	_ =	sdelay $0x1  }
0x21: {  	s15 =	smul.u32 @!p1 $0xC8, s15  }
0x22: {  	s16 =	sxor.u32 @!p1 $0xFFFFFFFF, s11;
	s17 =	smul.u32 @!p1 $0xC80, s10  }
0x23: {  	s31 =	sadd.s32 $0xFFFFFFFF, s11;
	s16 =	sshll.u32 @!p1 s16, $0xD;
	s14 =	ssub.s32 @!p1 s14, s15  }
0x24: {  	s15 =	sand.u32 @!p1 $0x2000, s16;
	s16 =	sadd.s32 @!p1 s6, s17;
	s14 =	sshll.u32 @!p1 s14, $0x4  }
0x25: {  	s17 =	simm.s32 @!p1 $0x6400;
	s14 =	sadd.s32 @!p1 s14, s16;
	s16 =	simm.s32 @!p1 $0x40  }
0x26: {  	[tilespmem:s15], [sflag:$0x1] =	stream.strided.gather @!p1 [hbm4b:s14+s16], $0x2000, s17, s16, $0x38;
	[tilespmem:$0x8080] =	vst v63  }
0x27: {  	p1 =	sge.u32 s31, s5  }
.Ltmp2:
0x28: {  	_ = 	snop;
	(pc) =	sbr.rel @p1 .LBB1_5-.Ltmp2, $1  }
0x29: {  	_ =	sdelay $0x3  }
0x2a: {  	s14 =	simm.s32 $0x1  }
0x2b: {  	_ =	swait.ge [sflag:s4], $0x2000;
	s14 =	simm.s32 @!p0 $0x0  }
0x2c: {  	[sflag:s4] =	ssyncset.done $0x0;
	s15 =	sshll.u32 s14, $0xD  }
0x2d: {  	[sflag:s4] =	ssyncadd.s32 $0xFFFFE000;
	s18 =	sor.u32 $0x20, s15  }
0x2e: {  	s14 =	smul.u32 $0x8100, s14;
	v3 =	vld [tilespmem:s18+$0x10]  }
0x2f: {  	s30 =	sand.u32 $0x1, s11;
	v2 =	vld [tilespmem:s18+$0xFFFFFFF0]  }
0x30: {  	s15 =	smul.u32 $0x8100, s30;
	s14 =	sshrl.u32 s14, $0x2;
	v0 =	vld [tilespmem:s18+$0x0]  }
0x31: {  	v1 =	vld [tilespmem:s18+$0xFFFFFFE0];
	s16 =	sor.u32 $0x4000, s14  }
0x32: {  	s31 =	sshrl.u32 s15, $0x2;
	s15 =	sadd.s32 $0x0, s16  }
0x33: {  	s17 =	simm.s32 $0x4;
	s18 =	sadd.s32 $0x40, s18;
	s14 =	sor.u32 $0x4000, s31;
	[tilespmem:s15+$0x1830 ss:$0x81] =	vst.msk $0xffff, v3  }
.LBB1_3:
0x34: {  	v3 =	vld [tilespmem:s18+$0x10];
	p1 =	sne.s32 s17, $0x1FC;
	[tilespmem:s15+$0x810 ss:$0x81] =	vst.msk $0xffff, v2;
	s19 =	smov.u32 s17;
	s17 =	sadd.s32 $0x4, s17  }
.Ltmp3:
0x35: {  	v2 =	vld [tilespmem:s18+$0xFFFFFFF0];
	[tilespmem:s15+$0x1020 ss:$0x81] =	vst.msk $0xffff, v0;
	(pc) =	sbr.rel @p1 .LBB1_3-.Ltmp3, $4  }
0x36: {  	v0 =	vld [tilespmem:s18+$0x0];
	[tilespmem:s15+$0x0 ss:$0x81] =	vst.msk $0xffff, v1  }
0x37: {  	s15 =	sshra.s32 s19, $0x2;
	v1 =	vld [tilespmem:s18+$0xFFFFFFE0]  }
0x38: {  	s15 =	sadd.s32 s15, s16  }
0x39: {  	s18 =	sadd.s32 $0x40, s18;
	[tilespmem:s15+$0x1830 ss:$0x81] =	vst.msk $0xffff, v3  }
.Ltmp4:
0x3a: {  	_ = 	snop;
	(pc) =	sbr.rel .LBB1_4-.Ltmp4, $1  }
0x3b: {  	_ =	sdelay $0x3  }
.LBB1_6:
0x3c: {  	_ =	sfence.sel $0x180000  }
0x3d: {  	s2 =	simm.s32 $0x1;
	[bflag:$0x0] =	sbarrier.arrive $0xFFFF  }
0x3e: {  	s31 =	simm.s32 $0x2;
	[sflag:s2] =	ssyncpa.u1 $0x1  }
0x3f: {  	[sflag:s31] =	ssyncpa.u1 $0x1  }
0x40: {  	p0 =	sne.s32 s0, $0x0;
	_ =	strace $0x9000004A  }
0x41: {  	s0 =	sadd.s32 @!p0 $0x100000, s1;
	[bflag:$0x2] =	sbarrier.arrive $0xFFFF  }
0x42: {  	[sflag:s0] =	ssyncadd.tile.s32 @!p0 $0x1;
	_ =	shalt  }
.Lfunc_end1:
_tile_overlayer_lowered:
.L_overlay_start_2:
0x43: {  	(tag) =	ssettag $0x2  }
0x44: {  	s0 =	rddreg [dreg:$0x0];
	s2 =	stileid.u32  }
0x45: {  	s1 =	rddreg [dreg:$0x1];
	p0 =	sne.s32 s2, $0x0  }
0x46: {  	s3 =	rddreg [dreg:$0x2];
	[bflag:$0x3] =	sbarrier.arrive $0xFFFF;
	s2 =	simm.s32 @!p0 $0x1C01  }
0x47: {  	[timem:s3], [sflag:s2] =	dma.local @!p0 [hbm:s0], s1  }
0x48: {  	s0 =	simm.s32 @!p0 $0x1  }
0x49: {  	_ =	swait.ge @!p0 [sflag:s0], s1  }
0x4a: {  	s1 =	ssub.s32 @!p0 $0x0, s1;
	[sflag:s0] =	ssyncset.done @!p0 $0x0  }
0x4b: {  	[sflag:s0] =	ssyncadd.s32 @!p0 s1  }
0x4c: {  	[bflag:$0x3] =	sbarrier.arrive $0xFFFF  }
0x4d: {  	_ =	shalt  }

</sc_bundles>
